<compile_context>
chip_gen: v7x
topology: tpu7x:2x2x1
jax: 0.10.2.dev20260603
libtpu: 0.0.44.dev20260713+nightly
codegen_flags: <defaults>
</compile_context>

<pallas_src>
import functools

import jax
import jax.numpy as jnp
from jax import lax
from jax.experimental import pallas as pl
from jax.experimental.pallas import tpu as pltpu
from jax.experimental.pallas import tpu_sc as plsc

N_NODES = 10000
N_EDGES = 160000
D_NODE = 256
D_EDGE = 16
D_GLOBAL = 64

_NC = 2
_NS = 16
_NW = _NC * _NS
_EPW = N_EDGES // _NW
_CHUNK = 1000
_NCHUNK = _EPW // _CHUNK



def _project_body(nodes_ref, wr_ref, ws_ref, g_ref, wg_ref, b_ref, pr_ref):
    n = nodes_ref[...]
    dn = (((1,), (1,)), ((), ()))
    const = lax.dot_general(g_ref[...], wg_ref[...], dn,
                            preferred_element_type=jnp.float32) + b_ref[...]
    pr = lax.dot_general(n, wr_ref[...], dn,
                         preferred_element_type=jnp.float32) + const
    ps = lax.dot_general(n, ws_ref[...], dn,
                         preferred_element_type=jnp.float32)
    zed = jnp.zeros((n.shape[0], 128 - 2 * D_EDGE), jnp.float32)
    pr_ref[...] = jnp.concatenate([pr, ps, zed], axis=1)


def _project(nodes, wr, ws, g, wg, b2):
    blk = 2000
    grid = (N_NODES // blk,)
    return pl.pallas_call(
        _project_body,
        grid=grid,
        in_specs=[
            pl.BlockSpec((blk, D_NODE), lambda i: (i, 0)),
            pl.BlockSpec((D_EDGE, D_NODE), lambda i: (0, 0)),
            pl.BlockSpec((D_EDGE, D_NODE), lambda i: (0, 0)),
            pl.BlockSpec((1, D_GLOBAL), lambda i: (0, 0)),
            pl.BlockSpec((D_EDGE, D_GLOBAL), lambda i: (0, 0)),
            pl.BlockSpec((1, D_EDGE), lambda i: (0, 0)),
        ],
        out_specs=pl.BlockSpec((blk, 128), lambda i: (i, 0)),
        out_shape=jax.ShapeDtypeStruct((N_NODES, 128), jnp.float32),
    )(nodes, wr, ws, g, wg, b2)



def _baseT_body(edgesT_ref, we_ref, out_ref):
    out_ref[...] = lax.dot_general(we_ref[...], edgesT_ref[...],
                                   (((1,), (0,)), ((), ())),
                                   preferred_element_type=jnp.float32)


def _edge_baseT(edgesT, we):
    blk = 16000
    grid = (N_EDGES // blk,)
    return pl.pallas_call(
        _baseT_body,
        grid=grid,
        in_specs=[
            pl.BlockSpec((D_EDGE, blk), lambda i: (0, i)),
            pl.BlockSpec((D_EDGE, D_EDGE), lambda i: (0, 0)),
        ],
        out_specs=pl.BlockSpec((D_EDGE, blk), lambda i: (0, i)),
        out_shape=jax.ShapeDtypeStruct((D_EDGE, N_EDGES), jnp.float32),
    )(edgesT, we)



def _make_combine():
    mesh = plsc.VectorSubcoreMesh(core_axis_name="c", subcore_axis_name="s")

    @functools.partial(
        pl.kernel,
        mesh=mesh,
        out_type=jax.ShapeDtypeStruct((D_EDGE, N_EDGES), jnp.float32),
        compiler_params=pltpu.CompilerParams(use_tc_tiling_on_sc=False,
                                             needs_layout_passes=False),
        scratch_types=[
            pltpu.VMEM((_CHUNK,), jnp.int32),
            pltpu.VMEM((_CHUNK,), jnp.int32),
            pltpu.VMEM((_CHUNK,), jnp.int32),
            pltpu.VMEM((_CHUNK,), jnp.int32),
            pltpu.VMEM((_CHUNK, D_EDGE), jnp.float32),
            pltpu.VMEM((_CHUNK, D_EDGE), jnp.float32),
            pltpu.VMEM((_CHUNK, D_EDGE), jnp.float32),
            pltpu.VMEM((_CHUNK, D_EDGE), jnp.float32),
            pltpu.VMEM((D_EDGE, _CHUNK), jnp.float32),
            pltpu.VMEM((D_EDGE, _CHUNK), jnp.float32),
        ] + [pltpu.SemaphoreType.DMA] * 12,
    )
    def combine(tab_hbm, baseT_hbm, recv_hbm, send_hbm, outT_hbm,
                ir0, ir1, is0, is1, rr0, rr1, rs0, rs1, a0, a1,
                si0, si1, sj0, sj1, sg0, sg1, sh0, sh1, sb0, sb1, sw0, sw1):
        IR, IS = (ir0, ir1), (is0, is1)
        RR, RS, ACC = (rr0, rr1), (rs0, rs1), (a0, a1)
        SI, SJ = (si0, si1), (sj0, sj1)
        SG, SH, SB, SW = (sg0, sg1), (sh0, sh1), (sb0, sb1), (sw0, sw1)

        wid = lax.axis_index("s") * _NC + lax.axis_index("c")
        ebase = wid * _EPW
        lane = lax.iota(jnp.int32, 16)

        def issue_idx(ci):
            b = ci % 2
            off = ebase + ci * _CHUNK
            return (
                pltpu.async_copy(recv_hbm.at[pl.ds(off, _CHUNK)], IR[b], SI[b]),
                pltpu.async_copy(send_hbm.at[pl.ds(off, _CHUNK)], IS[b], SJ[b]),
            )

        def issue_main(ci):
            b = ci % 2
            off = ebase + ci * _CHUNK
            return (
                pltpu.async_copy(tab_hbm.at[IR[b]], RR[b], SG[b]),
                pltpu.async_copy(tab_hbm.at[IS[b]], RS[b], SH[b]),
                pltpu.async_copy(baseT_hbm.at[:, pl.ds(off, _CHUNK)],
                                 ACC[b], SB[b]),
            )

        idxc = {0: issue_idx(0)}
        for c in idxc[0]:
            c.wait()
        main = {0: issue_main(0)}
        if _NCHUNK > 1:
            idxc[1] = issue_idx(1)
        wb = {}
        for ci in range(_NCHUNK):
            b = ci % 2
            for c in main[ci]:
                c.wait()
            if ci + 1 < _NCHUNK:
                for c in idxc[ci + 1]:
                    c.wait()
                if ci >= 1:
                    wb[ci - 1].wait()
                main[ci + 1] = issue_main(ci + 1)
            if ci + 2 < _NCHUNK:
                idxc[ci + 2] = issue_idx(ci + 2)

            rr, rs, acc = RR[b], RS[b], ACC[b]

            @plsc.parallel_loop(0, _CHUNK, step=1, unroll=8)
            def edge(i):
                v = rr[i, :] + rs[i, :]
                col = jnp.broadcast_to(i, (16,)).astype(jnp.int32)
                plsc.addupdate_scatter(acc, [lane, col], v)
            wb[ci] = pltpu.async_copy(
                acc, outT_hbm.at[:, pl.ds(ebase + ci * _CHUNK, _CHUNK)], SW[b])
        wb[_NCHUNK - 2].wait()
        wb[_NCHUNK - 1].wait()

    return combine


_combine = _make_combine()


def kernel(nodes, edges, globals_, receivers, senders, W, b):
    we = W[:, :D_EDGE]
    wr = W[:, D_EDGE:D_EDGE + D_NODE]
    ws = W[:, D_EDGE + D_NODE:D_EDGE + 2 * D_NODE]
    wg = W[:, D_EDGE + 2 * D_NODE:]
    tab = _project(nodes, wr, ws, globals_, wg, b.reshape(1, D_EDGE))
    tab16 = tab.reshape(8 * N_NODES, D_EDGE)
    baseT = _edge_baseT(edges.T, we)
    recv8 = receivers * 8
    send8 = senders * 8 + 1
    outT = _combine(tab16, baseT, recv8, send8)
    return outT.T

# --- scband reference (transcript-rebuilt; emitter-appended) ---
"""Pipeline reference for scband-edge-block-86758339379259 (READ-ONLY COPY).

The authoritative reference and input builder live on the scoring server;
editing this copy changes nothing except your own understanding.
"""

import jax, jax.numpy as jnp
import numpy as np

N_NODES = 10000
N_EDGES = 160000
D_NODE = 256
D_EDGE = 16
D_GLOBAL = 64
D_IN = D_EDGE + D_NODE + D_NODE + D_GLOBAL  # 592


def setup_inputs(seed: int = 0) -> dict:
    key = jax.random.key(seed)
    ks = jax.random.split(key, 7)
    nodes = jax.random.normal(ks[0], (N_NODES, D_NODE), dtype=jnp.float32)
    edges = jax.random.normal(ks[1], (N_EDGES, D_EDGE), dtype=jnp.float32)
    globals_ = jax.random.normal(ks[2], (1, D_GLOBAL), dtype=jnp.float32)
    receivers = jax.random.randint(ks[3], (N_EDGES,), 0, N_NODES, dtype=jnp.int32)
    senders = jax.random.randint(ks[4], (N_EDGES,), 0, N_NODES, dtype=jnp.int32)
    W = jax.random.normal(ks[5], (D_EDGE, D_IN), dtype=jnp.float32) / jnp.sqrt(D_IN)
    b = jax.random.normal(ks[6], (D_EDGE,), dtype=jnp.float32) * 0.01
    return {"nodes": nodes, "edges": edges, "globals_": globals_,
            "receivers": receivers, "senders": senders, "W": W, "b": b}


def reference(nodes, edges, globals_, receivers, senders, W, b):
    # EdgeBlock.forward: concat [edges, recv_nodes, send_nodes, broadcast_globals], then Linear
    recv = jnp.take(nodes, receivers, axis=0)                      # gather -> [E, D_NODE]
    send = jnp.take(nodes, senders, axis=0)                        # gather -> [E, D_NODE]
    g = jnp.broadcast_to(globals_, (edges.shape[0], globals_.shape[-1]))  # repeat(N_edges, 1)
    collected = jnp.concatenate([edges, recv, send, g], axis=1)    # [E, D_IN]
    updated_edges = collected @ W.T + b                            # Linear(D_IN -> D_EDGE)
    return updated_edges

if __name__ == "__main__":
    import jax
    _d = setup_inputs()
    print(jax.jit(kernel)(*tuple(_d.values())))

</pallas_src>

<mosaic_0001>
#map = affine_map<(d0, d1) -> (0, 0)>
#map1 = affine_map<(d0, d1) -> (0)>
module attributes {stable_mosaic.version = 14 : i64} {
  func.func @combine(%arg0: i32, %arg1: i32, %arg2: memref<80000x16xf32, #tpu.memory_space<hbm>>, %arg3: memref<16x160000xf32, #tpu.memory_space<hbm>>, %arg4: memref<160000xi32, #tpu.memory_space<hbm>>, %arg5: memref<160000xi32, #tpu.memory_space<hbm>>, %arg6: memref<16x160000xf32, #tpu.memory_space<hbm>>, %arg7: memref<1000xi32, #tpu.memory_space<vmem>>, %arg8: memref<1000xi32, #tpu.memory_space<vmem>>, %arg9: memref<1000xi32, #tpu.memory_space<vmem>>, %arg10: memref<1000xi32, #tpu.memory_space<vmem>>, %arg11: memref<1000x16xf32, #tpu.memory_space<vmem>>, %arg12: memref<1000x16xf32, #tpu.memory_space<vmem>>, %arg13: memref<1000x16xf32, #tpu.memory_space<vmem>>, %arg14: memref<1000x16xf32, #tpu.memory_space<vmem>>, %arg15: memref<16x1000xf32, #tpu.memory_space<vmem>>, %arg16: memref<16x1000xf32, #tpu.memory_space<vmem>>, %arg17: memref<!tpu.dma_semaphore, #tpu.memory_space<semaphore_mem>>, %arg18: memref<!tpu.dma_semaphore, #tpu.memory_space<semaphore_mem>>, %arg19: memref<!tpu.dma_semaphore, #tpu.memory_space<semaphore_mem>>, %arg20: memref<!tpu.dma_semaphore, #tpu.memory_space<semaphore_mem>>, %arg21: memref<!tpu.dma_semaphore, #tpu.memory_space<semaphore_mem>>, %arg22: memref<!tpu.dma_semaphore, #tpu.memory_space<semaphore_mem>>, %arg23: memref<!tpu.dma_semaphore, #tpu.memory_space<semaphore_mem>>, %arg24: memref<!tpu.dma_semaphore, #tpu.memory_space<semaphore_mem>>, %arg25: memref<!tpu.dma_semaphore, #tpu.memory_space<semaphore_mem>>, %arg26: memref<!tpu.dma_semaphore, #tpu.memory_space<semaphore_mem>>, %arg27: memref<!tpu.dma_semaphore, #tpu.memory_space<semaphore_mem>>, %arg28: memref<!tpu.dma_semaphore, #tpu.memory_space<semaphore_mem>>) attributes {dimension_semantics = [#tpu.dimension_semantics<core_parallel>, #tpu.dimension_semantics<subcore_parallel>], iteration_bounds = array<i64: 2, 16>, scalar_prefetch = 0 : i64, scratch_operands = 22 : i64, tpu.core_type = #tpu.core_type<sc_vector_subcore>, window_params = [{transform_indices = #map}, {transform_indices = #map}, {transform_indices = #map1}, {transform_indices = #map1}, {transform_indices = #map}]} {
    %mul3A = arith.constant 2 : i32
    %mul3A_0 = arith.muli %arg1, %mul3A : i32
    %add3A = arith.addi %mul3A_0, %arg0 : i32
    %mul3A_1 = arith.constant 5000 : i32
    %mul3A_2 = arith.muli %add3A, %mul3A_1 : i32
    %iota3A = tpu.iota {dimensions = array<i32: 0>} : vector<16xi32>
    %add3A_3 = arith.constant 0 : i32
    %add3A_4 = arith.addi %mul3A_2, %add3A_3 : i32
    %dma_start3A = tpu.memref_slice %arg4[%add3A_4] : memref<160000xi32, #tpu.memory_space<hbm>> -> memref<1000xi32, #tpu.memory_space<hbm>>
    %dma_start3A_5 = tpu.memref_slice %arg4[%add3A_4] : memref<160000xi32, #tpu.memory_space<hbm>> -> memref<1000xi32, #tpu.memory_space<hbm>>
    tpu.enqueue_dma source(%dma_start3A_5 : memref<1000xi32, #tpu.memory_space<hbm>>) target(%arg7 : memref<1000xi32, #tpu.memory_space<vmem>>) target_semaphore(%arg17 : memref<!tpu.dma_semaphore, #tpu.memory_space<semaphore_mem>>)
    %dma_start3A_6 = tpu.memref_slice %arg5[%add3A_4] : memref<160000xi32, #tpu.memory_space<hbm>> -> memref<1000xi32, #tpu.memory_space<hbm>>
    %dma_start3A_7 = tpu.memref_slice %arg5[%add3A_4] : memref<160000xi32, #tpu.memory_space<hbm>> -> memref<1000xi32, #tpu.memory_space<hbm>>
    tpu.enqueue_dma source(%dma_start3A_7 : memref<1000xi32, #tpu.memory_space<hbm>>) target(%arg9 : memref<1000xi32, #tpu.memory_space<vmem>>) target_semaphore(%arg19 : memref<!tpu.dma_semaphore, #tpu.memory_space<semaphore_mem>>)
    %dma_wait3A = tpu.memref_slice %arg4[%add3A_4] : memref<160000xi32, #tpu.memory_space<hbm>> -> memref<1000xi32, #tpu.memory_space<hbm>>
    %dma_wait3A_8 = tpu.memref_slice %arg4[%add3A_4] : memref<160000xi32, #tpu.memory_space<hbm>> -> memref<1000xi32, #tpu.memory_space<hbm>>
    tpu.wait_dma2 semaphore(%arg17 : memref<!tpu.dma_semaphore, #tpu.memory_space<semaphore_mem>>) src(%dma_wait3A_8 : memref<1000xi32, #tpu.memory_space<hbm>>) dst(%arg7 : memref<1000xi32, #tpu.memory_space<vmem>>)
    %dma_wait3A_9 = tpu.memref_slice %arg5[%add3A_4] : memref<160000xi32, #tpu.memory_space<hbm>> -> memref<1000xi32, #tpu.memory_space<hbm>>
    %dma_wait3A_10 = tpu.memref_slice %arg5[%add3A_4] : memref<160000xi32, #tpu.memory_space<hbm>> -> memref<1000xi32, #tpu.memory_space<hbm>>
    tpu.wait_dma2 semaphore(%arg19 : memref<!tpu.dma_semaphore, #tpu.memory_space<semaphore_mem>>) src(%dma_wait3A_10 : memref<1000xi32, #tpu.memory_space<hbm>>) dst(%arg9 : memref<1000xi32, #tpu.memory_space<vmem>>)
    %add3A_11 = arith.constant 0 : i32
    %add3A_12 = arith.addi %mul3A_2, %add3A_11 : i32
    %dma_start3A_13 = arith.constant 0 : i32
    %dma_start3A_14 = arith.constant 0 : i32
    %dma_start3A_15 = tpu.memref_slice %arg2[%dma_start3A_13, %dma_start3A_14] : memref<80000x16xf32, #tpu.memory_space<hbm>> -> memref<80000x16xf32, #tpu.memory_space<hbm>>
    tpu.enqueue_indirect_dma source(%dma_start3A_15 : memref<80000x16xf32, #tpu.memory_space<hbm>>) target(%arg11 : memref<1000x16xf32, #tpu.memory_space<vmem>>) offsets(%arg7 : memref<1000xi32, #tpu.memory_space<vmem>>) semaphore(%arg21 : memref<!tpu.dma_semaphore, #tpu.memory_space<semaphore_mem>>)
    %dma_start3A_16 = arith.constant 0 : i32
    %dma_start3A_17 = arith.constant 0 : i32
    %dma_start3A_18 = tpu.memref_slice %arg2[%dma_start3A_16, %dma_start3A_17] : memref<80000x16xf32, #tpu.memory_space<hbm>> -> memref<80000x16xf32, #tpu.memory_space<hbm>>
    tpu.enqueue_indirect_dma source(%dma_start3A_18 : memref<80000x16xf32, #tpu.memory_space<hbm>>) target(%arg13 : memref<1000x16xf32, #tpu.memory_space<vmem>>) offsets(%arg9 : memref<1000xi32, #tpu.memory_space<vmem>>) semaphore(%arg23 : memref<!tpu.dma_semaphore, #tpu.memory_space<semaphore_mem>>)
    %dma_start3A_19 = arith.constant 0 : i32
    %dma_start3A_20 = tpu.memref_slice %arg3[%dma_start3A_19, %add3A_12] : memref<16x160000xf32, #tpu.memory_space<hbm>> -> memref<16x1000xf32, #tpu.memory_space<hbm>>
    %dma_start3A_21 = arith.constant 0 : i32
    %dma_start3A_22 = tpu.memref_slice %arg3[%dma_start3A_21, %add3A_12] : memref<16x160000xf32, #tpu.memory_space<hbm>> -> memref<16x1000xf32, #tpu.memory_space<hbm>>
    tpu.enqueue_dma source(%dma_start3A_22 : memref<16x1000xf32, #tpu.memory_space<hbm>>) target(%arg15 : memref<16x1000xf32, #tpu.memory_space<vmem>>) target_semaphore(%arg25 : memref<!tpu.dma_semaphore, #tpu.memory_space<semaphore_mem>>)
    %add3A_23 = arith.constant 1000 : i32
    %add3A_24 = arith.addi %mul3A_2, %add3A_23 : i32
    %dma_start3A_25 = tpu.memref_slice %arg4[%add3A_24] : memref<160000xi32, #tpu.memory_space<hbm>> -> memref<1000xi32, #tpu.memory_space<hbm>>
    %dma_start3A_26 = tpu.memref_slice %arg4[%add3A_24] : memref<160000xi32, #tpu.memory_space<hbm>> -> memref<1000xi32, #tpu.memory_space<hbm>>
    tpu.enqueue_dma source(%dma_start3A_26 : memref<1000xi32, #tpu.memory_space<hbm>>) target(%arg8 : memref<1000xi32, #tpu.memory_space<vmem>>) target_semaphore(%arg18 : memref<!tpu.dma_semaphore, #tpu.memory_space<semaphore_mem>>)
    %dma_start3A_27 = tpu.memref_slice %arg5[%add3A_24] : memref<160000xi32, #tpu.memory_space<hbm>> -> memref<1000xi32, #tpu.memory_space<hbm>>
    %dma_start3A_28 = tpu.memref_slice %arg5[%add3A_24] : memref<160000xi32, #tpu.memory_space<hbm>> -> memref<1000xi32, #tpu.memory_space<hbm>>
    tpu.enqueue_dma source(%dma_start3A_28 : memref<1000xi32, #tpu.memory_space<hbm>>) target(%arg10 : memref<1000xi32, #tpu.memory_space<vmem>>) target_semaphore(%arg20 : memref<!tpu.dma_semaphore, #tpu.memory_space<semaphore_mem>>)
    %dma_wait3A_29 = arith.constant 0 : i32
    %dma_wait3A_30 = arith.constant 0 : i32
    %dma_wait3A_31 = tpu.memref_slice %arg2[%dma_wait3A_29, %dma_wait3A_30] : memref<80000x16xf32, #tpu.memory_space<hbm>> -> memref<80000x16xf32, #tpu.memory_space<hbm>>
    tpu.wait_indirect_dma semaphore(%arg21 : memref<!tpu.dma_semaphore, #tpu.memory_space<semaphore_mem>>) src(%dma_wait3A_31 : memref<80000x16xf32, #tpu.memory_space<hbm>>) dst(%arg11 : memref<1000x16xf32, #tpu.memory_space<vmem>>)
    %dma_wait3A_32 = arith.constant 0 : i32
    %dma_wait3A_33 = arith.constant 0 : i32
    %dma_wait3A_34 = tpu.memref_slice %arg2[%dma_wait3A_32, %dma_wait3A_33] : memref<80000x16xf32, #tpu.memory_space<hbm>> -> memref<80000x16xf32, #tpu.memory_space<hbm>>
    tpu.wait_indirect_dma semaphore(%arg23 : memref<!tpu.dma_semaphore, #tpu.memory_space<semaphore_mem>>) src(%dma_wait3A_34 : memref<80000x16xf32, #tpu.memory_space<hbm>>) dst(%arg13 : memref<1000x16xf32, #tpu.memory_space<vmem>>)
    %dma_wait3A_35 = arith.constant 0 : i32
    %dma_wait3A_36 = tpu.memref_slice %arg3[%dma_wait3A_35, %add3A_12] : memref<16x160000xf32, #tpu.memory_space<hbm>> -> memref<16x1000xf32, #tpu.memory_space<hbm>>
    %dma_wait3A_37 = arith.constant 0 : i32
    %dma_wait3A_38 = tpu.memref_slice %arg3[%dma_wait3A_37, %add3A_12] : memref<16x160000xf32, #tpu.memory_space<hbm>> -> memref<16x1000xf32, #tpu.memory_space<hbm>>
    tpu.wait_dma2 semaphore(%arg25 : memref<!tpu.dma_semaphore, #tpu.memory_space<semaphore_mem>>) src(%dma_wait3A_38 : memref<16x1000xf32, #tpu.memory_space<hbm>>) dst(%arg15 : memref<16x1000xf32, #tpu.memory_space<vmem>>)
    %dma_wait3A_39 = tpu.memref_slice %arg4[%add3A_24] : memref<160000xi32, #tpu.memory_space<hbm>> -> memref<1000xi32, #tpu.memory_space<hbm>>
    %dma_wait3A_40 = tpu.memref_slice %arg4[%add3A_24] : memref<160000xi32, #tpu.memory_space<hbm>> -> memref<1000xi32, #tpu.memory_space<hbm>>
    tpu.wait_dma2 semaphore(%arg18 : memref<!tpu.dma_semaphore, #tpu.memory_space<semaphore_mem>>) src(%dma_wait3A_40 : memref<1000xi32, #tpu.memory_space<hbm>>) dst(%arg8 : memref<1000xi32, #tpu.memory_space<vmem>>)
    %dma_wait3A_41 = tpu.memref_slice %arg5[%add3A_24] : memref<160000xi32, #tpu.memory_space<hbm>> -> memref<1000xi32, #tpu.memory_space<hbm>>
    %dma_wait3A_42 = tpu.memref_slice %arg5[%add3A_24] : memref<160000xi32, #tpu.memory_space<hbm>> -> memref<1000xi32, #tpu.memory_space<hbm>>
    tpu.wait_dma2 semaphore(%arg20 : memref<!tpu.dma_semaphore, #tpu.memory_space<semaphore_mem>>) src(%dma_wait3A_42 : memref<1000xi32, #tpu.memory_space<hbm>>) dst(%arg10 : memref<1000xi32, #tpu.memory_space<vmem>>)
    %add3A_43 = arith.constant 1000 : i32
    %add3A_44 = arith.addi %mul3A_2, %add3A_43 : i32
    %dma_start3A_45 = arith.constant 0 : i32
    %dma_start3A_46 = arith.constant 0 : i32
    %dma_start3A_47 = tpu.memref_slice %arg2[%dma_start3A_45, %dma_start3A_46] : memref<80000x16xf32, #tpu.memory_space<hbm>> -> memref<80000x16xf32, #tpu.memory_space<hbm>>
    tpu.enqueue_indirect_dma source(%dma_start3A_47 : memref<80000x16xf32, #tpu.memory_space<hbm>>) target(%arg12 : memref<1000x16xf32, #tpu.memory_space<vmem>>) offsets(%arg8 : memref<1000xi32, #tpu.memory_space<vmem>>) semaphore(%arg22 : memref<!tpu.dma_semaphore, #tpu.memory_space<semaphore_mem>>)
    %dma_start3A_48 = arith.constant 0 : i32
    %dma_start3A_49 = arith.constant 0 : i32
    %dma_start3A_50 = tpu.memref_slice %arg2[%dma_start3A_48, %dma_start3A_49] : memref<80000x16xf32, #tpu.memory_space<hbm>> -> memref<80000x16xf32, #tpu.memory_space<hbm>>
    tpu.enqueue_indirect_dma source(%dma_start3A_50 : memref<80000x16xf32, #tpu.memory_space<hbm>>) target(%arg14 : memref<1000x16xf32, #tpu.memory_space<vmem>>) offsets(%arg10 : memref<1000xi32, #tpu.memory_space<vmem>>) semaphore(%arg24 : memref<!tpu.dma_semaphore, #tpu.memory_space<semaphore_mem>>)
    %dma_start3A_51 = arith.constant 0 : i32
    %dma_start3A_52 = tpu.memref_slice %arg3[%dma_start3A_51, %add3A_44] : memref<16x160000xf32, #tpu.memory_space<hbm>> -> memref<16x1000xf32, #tpu.memory_space<hbm>>
    %dma_start3A_53 = arith.constant 0 : i32
    %dma_start3A_54 = tpu.memref_slice %arg3[%dma_start3A_53, %add3A_44] : memref<16x160000xf32, #tpu.memory_space<hbm>> -> memref<16x1000xf32, #tpu.memory_space<hbm>>
    tpu.enqueue_dma source(%dma_start3A_54 : memref<16x1000xf32, #tpu.memory_space<hbm>>) target(%arg16 : memref<16x1000xf32, #tpu.memory_space<vmem>>) target_semaphore(%arg26 : memref<!tpu.dma_semaphore, #tpu.memory_space<semaphore_mem>>)
    %add3A_55 = arith.constant 2000 : i32
    %add3A_56 = arith.addi %mul3A_2, %add3A_55 : i32
    %dma_start3A_57 = tpu.memref_slice %arg4[%add3A_56] : memref<160000xi32, #tpu.memory_space<hbm>> -> memref<1000xi32, #tpu.memory_space<hbm>>
    %dma_start3A_58 = tpu.memref_slice %arg4[%add3A_56] : memref<160000xi32, #tpu.memory_space<hbm>> -> memref<1000xi32, #tpu.memory_space<hbm>>
    tpu.enqueue_dma source(%dma_start3A_58 : memref<1000xi32, #tpu.memory_space<hbm>>) target(%arg7 : memref<1000xi32, #tpu.memory_space<vmem>>) target_semaphore(%arg17 : memref<!tpu.dma_semaphore, #tpu.memory_space<semaphore_mem>>)
    %dma_start3A_59 = tpu.memref_slice %arg5[%add3A_56] : memref<160000xi32, #tpu.memory_space<hbm>> -> memref<1000xi32, #tpu.memory_space<hbm>>
    %dma_start3A_60 = tpu.memref_slice %arg5[%add3A_56] : memref<160000xi32, #tpu.memory_space<hbm>> -> memref<1000xi32, #tpu.memory_space<hbm>>
    tpu.enqueue_dma source(%dma_start3A_60 : memref<1000xi32, #tpu.memory_space<hbm>>) target(%arg9 : memref<1000xi32, #tpu.memory_space<vmem>>) target_semaphore(%arg19 : memref<!tpu.dma_semaphore, #tpu.memory_space<semaphore_mem>>)
    %parallel_loop3A = arith.constant 0 : i32
    %parallel_loop3A_61 = arith.constant 1000 : i32
    %parallel_loop3A_62 = arith.constant 1 : i32
    scf.for %parallel_loop3A_225 = %parallel_loop3A to %parallel_loop3A_61 step %parallel_loop3A_62  : i32 {
      %parallel_loop3A_226 = arith.index_cast %parallel_loop3A_225 : i32 to index
      %parallel_loop3A_227 = arith.constant 0 : index
      %parallel_loop3A_228 = tpu.vector_load %arg11[%parallel_loop3A_226, %parallel_loop3A_227] {strides = array<i32>} : memref<1000x16xf32, #tpu.memory_space<vmem>>, vector<16xf32>,
      %parallel_loop3A_229 = arith.index_cast %parallel_loop3A_225 : i32 to index
      %parallel_loop3A_230 = arith.constant 0 : index
      %parallel_loop3A_231 = tpu.vector_load %arg13[%parallel_loop3A_229, %parallel_loop3A_230] {strides = array<i32>} : memref<1000x16xf32, #tpu.memory_space<vmem>>, vector<16xf32>,
      %parallel_loop3A_232 = arith.addf %parallel_loop3A_228, %parallel_loop3A_231 : vector<16xf32>
      %parallel_loop3A_233 = vector.broadcast %parallel_loop3A_225 : i32 to vector<16xi32>
      tpu.vector_store_idx %arg15[%iota3A, %parallel_loop3A_233], %parallel_loop3A_232 {add = true} : memref<16x1000xf32, #tpu.memory_space<vmem>>[vector<16xi32>, vector<16xi32>], vector<16xf32>,
    } {sc.loop_unroll_factor = 8 : i64, sc.parallel_access}
    %add3A_63 = arith.constant 0 : i32
    %add3A_64 = arith.addi %mul3A_2, %add3A_63 : i32
    %dma_start3A_65 = arith.constant 0 : i32
    %dma_start3A_66 = tpu.memref_slice %arg6[%dma_start3A_65, %add3A_64] : memref<16x160000xf32, #tpu.memory_space<hbm>> -> memref<16x1000xf32, #tpu.memory_space<hbm>>
    %dma_start3A_67 = arith.constant 0 : i32
    %dma_start3A_68 = tpu.memref_slice %arg6[%dma_start3A_67, %add3A_64] : memref<16x160000xf32, #tpu.memory_space<hbm>> -> memref<16x1000xf32, #tpu.memory_space<hbm>>
    tpu.enqueue_dma source(%arg15 : memref<16x1000xf32, #tpu.memory_space<vmem>>) target(%dma_start3A_68 : memref<16x1000xf32, #tpu.memory_space<hbm>>) target_semaphore(%arg27 : memref<!tpu.dma_semaphore, #tpu.memory_space<semaphore_mem>>)
    %dma_wait3A_69 = arith.constant 0 : i32
    %dma_wait3A_70 = arith.constant 0 : i32
    %dma_wait3A_71 = tpu.memref_slice %arg2[%dma_wait3A_69, %dma_wait3A_70] : memref<80000x16xf32, #tpu.memory_space<hbm>> -> memref<80000x16xf32, #tpu.memory_space<hbm>>
    tpu.wait_indirect_dma semaphore(%arg22 : memref<!tpu.dma_semaphore, #tpu.memory_space<semaphore_mem>>) src(%dma_wait3A_71 : memref<80000x16xf32, #tpu.memory_space<hbm>>) dst(%arg12 : memref<1000x16xf32, #tpu.memory_space<vmem>>)
    %dma_wait3A_72 = arith.constant 0 : i32
    %dma_wait3A_73 = arith.constant 0 : i32
    %dma_wait3A_74 = tpu.memref_slice %arg2[%dma_wait3A_72, %dma_wait3A_73] : memref<80000x16xf32, #tpu.memory_space<hbm>> -> memref<80000x16xf32, #tpu.memory_space<hbm>>
    tpu.wait_indirect_dma semaphore(%arg24 : memref<!tpu.dma_semaphore, #tpu.memory_space<semaphore_mem>>) src(%dma_wait3A_74 : memref<80000x16xf32, #tpu.memory_space<hbm>>) dst(%arg14 : memref<1000x16xf32, #tpu.memory_space<vmem>>)
    %dma_wait3A_75 = arith.constant 0 : i32
    %dma_wait3A_76 = tpu.memref_slice %arg3[%dma_wait3A_75, %add3A_44] : memref<16x160000xf32, #tpu.memory_space<hbm>> -> memref<16x1000xf32, #tpu.memory_space<hbm>>
    %dma_wait3A_77 = arith.constant 0 : i32
    %dma_wait3A_78 = tpu.memref_slice %arg3[%dma_wait3A_77, %add3A_44] : memref<16x160000xf32, #tpu.memory_space<hbm>> -> memref<16x1000xf32, #tpu.memory_space<hbm>>
    tpu.wait_dma2 semaphore(%arg26 : memref<!tpu.dma_semaphore, #tpu.memory_space<semaphore_mem>>) src(%dma_wait3A_78 : memref<16x1000xf32, #tpu.memory_space<hbm>>) dst(%arg16 : memref<16x1000xf32, #tpu.memory_space<vmem>>)
    %dma_wait3A_79 = tpu.memref_slice %arg4[%add3A_56] : memref<160000xi32, #tpu.memory_space<hbm>> -> memref<1000xi32, #tpu.memory_space<hbm>>
    %dma_wait3A_80 = tpu.memref_slice %arg4[%add3A_56] : memref<160000xi32, #tpu.memory_space<hbm>> -> memref<1000xi32, #tpu.memory_space<hbm>>
    tpu.wait_dma2 semaphore(%arg17 : memref<!tpu.dma_semaphore, #tpu.memory_space<semaphore_mem>>) src(%dma_wait3A_80 : memref<1000xi32, #tpu.memory_space<hbm>>) dst(%arg7 : memref<1000xi32, #tpu.memory_space<vmem>>)
    %dma_wait3A_81 = tpu.memref_slice %arg5[%add3A_56] : memref<160000xi32, #tpu.memory_space<hbm>> -> memref<1000xi32, #tpu.memory_space<hbm>>
    %dma_wait3A_82 = tpu.memref_slice %arg5[%add3A_56] : memref<160000xi32, #tpu.memory_space<hbm>> -> memref<1000xi32, #tpu.memory_space<hbm>>
    tpu.wait_dma2 semaphore(%arg19 : memref<!tpu.dma_semaphore, #tpu.memory_space<semaphore_mem>>) src(%dma_wait3A_82 : memref<1000xi32, #tpu.memory_space<hbm>>) dst(%arg9 : memref<1000xi32, #tpu.memory_space<vmem>>)
    %dma_wait3A_83 = arith.constant 0 : i32
    %dma_wait3A_84 = tpu.memref_slice %arg6[%dma_wait3A_83, %add3A_64] : memref<16x160000xf32, #tpu.memory_space<hbm>> -> memref<16x1000xf32, #tpu.memory_space<hbm>>
    %dma_wait3A_85 = arith.constant 0 : i32
    %dma_wait3A_86 = tpu.memref_slice %arg6[%dma_wait3A_85, %add3A_64] : memref<16x160000xf32, #tpu.memory_space<hbm>> -> memref<16x1000xf32, #tpu.memory_space<hbm>>
    tpu.wait_dma2 semaphore(%arg27 : memref<!tpu.dma_semaphore, #tpu.memory_space<semaphore_mem>>) src(%arg15 : memref<16x1000xf32, #tpu.memory_space<vmem>>) dst(%dma_wait3A_86 : memref<16x1000xf32, #tpu.memory_space<hbm>>)
    %add3A_87 = arith.constant 2000 : i32
    %add3A_88 = arith.addi %mul3A_2, %add3A_87 : i32
    %dma_start3A_89 = arith.constant 0 : i32
    %dma_start3A_90 = arith.constant 0 : i32
    %dma_start3A_91 = tpu.memref_slice %arg2[%dma_start3A_89, %dma_start3A_90] : memref<80000x16xf32, #tpu.memory_space<hbm>> -> memref<80000x16xf32, #tpu.memory_space<hbm>>
    tpu.enqueue_indirect_dma source(%dma_start3A_91 : memref<80000x16xf32, #tpu.memory_space<hbm>>) target(%arg11 : memref<1000x16xf32, #tpu.memory_space<vmem>>) offsets(%arg7 : memref<1000xi32, #tpu.memory_space<vmem>>) semaphore(%arg21 : memref<!tpu.dma_semaphore, #tpu.memory_space<semaphore_mem>>)
    %dma_start3A_92 = arith.constant 0 : i32
    %dma_start3A_93 = arith.constant 0 : i32
    %dma_start3A_94 = tpu.memref_slice %arg2[%dma_start3A_92, %dma_start3A_93] : memref<80000x16xf32, #tpu.memory_space<hbm>> -> memref<80000x16xf32, #tpu.memory_space<hbm>>
    tpu.enqueue_indirect_dma source(%dma_start3A_94 : memref<80000x16xf32, #tpu.memory_space<hbm>>) target(%arg13 : memref<1000x16xf32, #tpu.memory_space<vmem>>) offsets(%arg9 : memref<1000xi32, #tpu.memory_space<vmem>>) semaphore(%arg23 : memref<!tpu.dma_semaphore, #tpu.memory_space<semaphore_mem>>)
    %dma_start3A_95 = arith.constant 0 : i32
    %dma_start3A_96 = tpu.memref_slice %arg3[%dma_start3A_95, %add3A_88] : memref<16x160000xf32, #tpu.memory_space<hbm>> -> memref<16x1000xf32, #tpu.memory_space<hbm>>
    %dma_start3A_97 = arith.constant 0 : i32
    %dma_start3A_98 = tpu.memref_slice %arg3[%dma_start3A_97, %add3A_88] : memref<16x160000xf32, #tpu.memory_space<hbm>> -> memref<16x1000xf32, #tpu.memory_space<hbm>>
    tpu.enqueue_dma source(%dma_start3A_98 : memref<16x1000xf32, #tpu.memory_space<hbm>>) target(%arg15 : memref<16x1000xf32, #tpu.memory_space<vmem>>) target_semaphore(%arg25 : memref<!tpu.dma_semaphore, #tpu.memory_space<semaphore_mem>>)
    %add3A_99 = arith.constant 3000 : i32
    %add3A_100 = arith.addi %mul3A_2, %add3A_99 : i32
    %dma_start3A_101 = tpu.memref_slice %arg4[%add3A_100] : memref<160000xi32, #tpu.memory_space<hbm>> -> memref<1000xi32, #tpu.memory_space<hbm>>
    %dma_start3A_102 = tpu.memref_slice %arg4[%add3A_100] : memref<160000xi32, #tpu.memory_space<hbm>> -> memref<1000xi32, #tpu.memory_space<hbm>>
    tpu.enqueue_dma source(%dma_start3A_102 : memref<1000xi32, #tpu.memory_space<hbm>>) target(%arg8 : memref<1000xi32, #tpu.memory_space<vmem>>) target_semaphore(%arg18 : memref<!tpu.dma_semaphore, #tpu.memory_space<semaphore_mem>>)
    %dma_start3A_103 = tpu.memref_slice %arg5[%add3A_100] : memref<160000xi32, #tpu.memory_space<hbm>> -> memref<1000xi32, #tpu.memory_space<hbm>>
    %dma_start3A_104 = tpu.memref_slice %arg5[%add3A_100] : memref<160000xi32, #tpu.memory_space<hbm>> -> memref<1000xi32, #tpu.memory_space<hbm>>
    tpu.enqueue_dma source(%dma_start3A_104 : memref<1000xi32, #tpu.memory_space<hbm>>) target(%arg10 : memref<1000xi32, #tpu.memory_space<vmem>>) target_semaphore(%arg20 : memref<!tpu.dma_semaphore, #tpu.memory_space<semaphore_mem>>)
    %parallel_loop3A_105 = arith.constant 0 : i32
    %parallel_loop3A_106 = arith.constant 1000 : i32
    %parallel_loop3A_107 = arith.constant 1 : i32
    scf.for %parallel_loop3A_225 = %parallel_loop3A_105 to %parallel_loop3A_106 step %parallel_loop3A_107  : i32 {
      %parallel_loop3A_226 = arith.index_cast %parallel_loop3A_225 : i32 to index
      %parallel_loop3A_227 = arith.constant 0 : index
      %parallel_loop3A_228 = tpu.vector_load %arg12[%parallel_loop3A_226, %parallel_loop3A_227] {strides = array<i32>} : memref<1000x16xf32, #tpu.memory_space<vmem>>, vector<16xf32>,
      %parallel_loop3A_229 = arith.index_cast %parallel_loop3A_225 : i32 to index
      %parallel_loop3A_230 = arith.constant 0 : index
      %parallel_loop3A_231 = tpu.vector_load %arg14[%parallel_loop3A_229, %parallel_loop3A_230] {strides = array<i32>} : memref<1000x16xf32, #tpu.memory_space<vmem>>, vector<16xf32>,
      %parallel_loop3A_232 = arith.addf %parallel_loop3A_228, %parallel_loop3A_231 : vector<16xf32>
      %parallel_loop3A_233 = vector.broadcast %parallel_loop3A_225 : i32 to vector<16xi32>
      tpu.vector_store_idx %arg16[%iota3A, %parallel_loop3A_233], %parallel_loop3A_232 {add = true} : memref<16x1000xf32, #tpu.memory_space<vmem>>[vector<16xi32>, vector<16xi32>], vector<16xf32>,
    } {sc.loop_unroll_factor = 8 : i64, sc.parallel_access}
    %add3A_108 = arith.constant 1000 : i32
    %add3A_109 = arith.addi %mul3A_2, %add3A_108 : i32
    %dma_start3A_110 = arith.constant 0 : i32
    %dma_start3A_111 = tpu.memref_slice %arg6[%dma_start3A_110, %add3A_109] : memref<16x160000xf32, #tpu.memory_space<hbm>> -> memref<16x1000xf32, #tpu.memory_space<hbm>>
    %dma_start3A_112 = arith.constant 0 : i32
    %dma_start3A_113 = tpu.memref_slice %arg6[%dma_start3A_112, %add3A_109] : memref<16x160000xf32, #tpu.memory_space<hbm>> -> memref<16x1000xf32, #tpu.memory_space<hbm>>
    tpu.enqueue_dma source(%arg16 : memref<16x1000xf32, #tpu.memory_space<vmem>>) target(%dma_start3A_113 : memref<16x1000xf32, #tpu.memory_space<hbm>>) target_semaphore(%arg28 : memref<!tpu.dma_semaphore, #tpu.memory_space<semaphore_mem>>)
    %dma_wait3A_114 = arith.constant 0 : i32
    %dma_wait3A_115 = arith.constant 0 : i32
    %dma_wait3A_116 = tpu.memref_slice %arg2[%dma_wait3A_114, %dma_wait3A_115] : memref<80000x16xf32, #tpu.memory_space<hbm>> -> memref<80000x16xf32, #tpu.memory_space<hbm>>
    tpu.wait_indirect_dma semaphore(%arg21 : memref<!tpu.dma_semaphore, #tpu.memory_space<semaphore_mem>>) src(%dma_wait3A_116 : memref<80000x16xf32, #tpu.memory_space<hbm>>) dst(%arg11 : memref<1000x16xf32, #tpu.memory_space<vmem>>)
    %dma_wait3A_117 = arith.constant 0 : i32
    %dma_wait3A_118 = arith.constant 0 : i32
    %dma_wait3A_119 = tpu.memref_slice %arg2[%dma_wait3A_117, %dma_wait3A_118] : memref<80000x16xf32, #tpu.memory_space<hbm>> -> memref<80000x16xf32, #tpu.memory_space<hbm>>
    tpu.wait_indirect_dma semaphore(%arg23 : memref<!tpu.dma_semaphore, #tpu.memory_space<semaphore_mem>>) src(%dma_wait3A_119 : memref<80000x16xf32, #tpu.memory_space<hbm>>) dst(%arg13 : memref<1000x16xf32, #tpu.memory_space<vmem>>)
    %dma_wait3A_120 = arith.constant 0 : i32
    %dma_wait3A_121 = tpu.memref_slice %arg3[%dma_wait3A_120, %add3A_88] : memref<16x160000xf32, #tpu.memory_space<hbm>> -> memref<16x1000xf32, #tpu.memory_space<hbm>>
    %dma_wait3A_122 = arith.constant 0 : i32
    %dma_wait3A_123 = tpu.memref_slice %arg3[%dma_wait3A_122, %add3A_88] : memref<16x160000xf32, #tpu.memory_space<hbm>> -> memref<16x1000xf32, #tpu.memory_space<hbm>>
    tpu.wait_dma2 semaphore(%arg25 : memref<!tpu.dma_semaphore, #tpu.memory_space<semaphore_mem>>) src(%dma_wait3A_123 : memref<16x1000xf32, #tpu.memory_space<hbm>>) dst(%arg15 : memref<16x1000xf32, #tpu.memory_space<vmem>>)
    %dma_wait3A_124 = tpu.memref_slice %arg4[%add3A_100] : memref<160000xi32, #tpu.memory_space<hbm>> -> memref<1000xi32, #tpu.memory_space<hbm>>
    %dma_wait3A_125 = tpu.memref_slice %arg4[%add3A_100] : memref<160000xi32, #tpu.memory_space<hbm>> -> memref<1000xi32, #tpu.memory_space<hbm>>
    tpu.wait_dma2 semaphore(%arg18 : memref<!tpu.dma_semaphore, #tpu.memory_space<semaphore_mem>>) src(%dma_wait3A_125 : memref<1000xi32, #tpu.memory_space<hbm>>) dst(%arg8 : memref<1000xi32, #tpu.memory_space<vmem>>)
    %dma_wait3A_126 = tpu.memref_slice %arg5[%add3A_100] : memref<160000xi32, #tpu.memory_space<hbm>> -> memref<1000xi32, #tpu.memory_space<hbm>>
    %dma_wait3A_127 = tpu.memref_slice %arg5[%add3A_100] : memref<160000xi32, #tpu.memory_space<hbm>> -> memref<1000xi32, #tpu.memory_space<hbm>>
    tpu.wait_dma2 semaphore(%arg20 : memref<!tpu.dma_semaphore, #tpu.memory_space<semaphore_mem>>) src(%dma_wait3A_127 : memref<1000xi32, #tpu.memory_space<hbm>>) dst(%arg10 : memref<1000xi32, #tpu.memory_space<vmem>>)
    %dma_wait3A_128 = arith.constant 0 : i32
    %dma_wait3A_129 = tpu.memref_slice %arg6[%dma_wait3A_128, %add3A_109] : memref<16x160000xf32, #tpu.memory_space<hbm>> -> memref<16x1000xf32, #tpu.memory_space<hbm>>
    %dma_wait3A_130 = arith.constant 0 : i32
    %dma_wait3A_131 = tpu.memref_slice %arg6[%dma_wait3A_130, %add3A_109] : memref<16x160000xf32, #tpu.memory_space<hbm>> -> memref<16x1000xf32, #tpu.memory_space<hbm>>
    tpu.wait_dma2 semaphore(%arg28 : memref<!tpu.dma_semaphore, #tpu.memory_space<semaphore_mem>>) src(%arg16 : memref<16x1000xf32, #tpu.memory_space<vmem>>) dst(%dma_wait3A_131 : memref<16x1000xf32, #tpu.memory_space<hbm>>)
    %add3A_132 = arith.constant 3000 : i32
    %add3A_133 = arith.addi %mul3A_2, %add3A_132 : i32
    %dma_start3A_134 = arith.constant 0 : i32
    %dma_start3A_135 = arith.constant 0 : i32
    %dma_start3A_136 = tpu.memref_slice %arg2[%dma_start3A_134, %dma_start3A_135] : memref<80000x16xf32, #tpu.memory_space<hbm>> -> memref<80000x16xf32, #tpu.memory_space<hbm>>
    tpu.enqueue_indirect_dma source(%dma_start3A_136 : memref<80000x16xf32, #tpu.memory_space<hbm>>) target(%arg12 : memref<1000x16xf32, #tpu.memory_space<vmem>>) offsets(%arg8 : memref<1000xi32, #tpu.memory_space<vmem>>) semaphore(%arg22 : memref<!tpu.dma_semaphore, #tpu.memory_space<semaphore_mem>>)
    %dma_start3A_137 = arith.constant 0 : i32
    %dma_start3A_138 = arith.constant 0 : i32
    %dma_start3A_139 = tpu.memref_slice %arg2[%dma_start3A_137, %dma_start3A_138] : memref<80000x16xf32, #tpu.memory_space<hbm>> -> memref<80000x16xf32, #tpu.memory_space<hbm>>
    tpu.enqueue_indirect_dma source(%dma_start3A_139 : memref<80000x16xf32, #tpu.memory_space<hbm>>) target(%arg14 : memref<1000x16xf32, #tpu.memory_space<vmem>>) offsets(%arg10 : memref<1000xi32, #tpu.memory_space<vmem>>) semaphore(%arg24 : memref<!tpu.dma_semaphore, #tpu.memory_space<semaphore_mem>>)
    %dma_start3A_140 = arith.constant 0 : i32
    %dma_start3A_141 = tpu.memref_slice %arg3[%dma_start3A_140, %add3A_133] : memref<16x160000xf32, #tpu.memory_space<hbm>> -> memref<16x1000xf32, #tpu.memory_space<hbm>>
    %dma_start3A_142 = arith.constant 0 : i32
    %dma_start3A_143 = tpu.memref_slice %arg3[%dma_start3A_142, %add3A_133] : memref<16x160000xf32, #tpu.memory_space<hbm>> -> memref<16x1000xf32, #tpu.memory_space<hbm>>
    tpu.enqueue_dma source(%dma_start3A_143 : memref<16x1000xf32, #tpu.memory_space<hbm>>) target(%arg16 : memref<16x1000xf32, #tpu.memory_space<vmem>>) target_semaphore(%arg26 : memref<!tpu.dma_semaphore, #tpu.memory_space<semaphore_mem>>)
    %add3A_144 = arith.constant 4000 : i32
    %add3A_145 = arith.addi %mul3A_2, %add3A_144 : i32
    %dma_start3A_146 = tpu.memref_slice %arg4[%add3A_145] : memref<160000xi32, #tpu.memory_space<hbm>> -> memref<1000xi32, #tpu.memory_space<hbm>>
    %dma_start3A_147 = tpu.memref_slice %arg4[%add3A_145] : memref<160000xi32, #tpu.memory_space<hbm>> -> memref<1000xi32, #tpu.memory_space<hbm>>
    tpu.enqueue_dma source(%dma_start3A_147 : memref<1000xi32, #tpu.memory_space<hbm>>) target(%arg7 : memref<1000xi32, #tpu.memory_space<vmem>>) target_semaphore(%arg17 : memref<!tpu.dma_semaphore, #tpu.memory_space<semaphore_mem>>)
    %dma_start3A_148 = tpu.memref_slice %arg5[%add3A_145] : memref<160000xi32, #tpu.memory_space<hbm>> -> memref<1000xi32, #tpu.memory_space<hbm>>
    %dma_start3A_149 = tpu.memref_slice %arg5[%add3A_145] : memref<160000xi32, #tpu.memory_space<hbm>> -> memref<1000xi32, #tpu.memory_space<hbm>>
    tpu.enqueue_dma source(%dma_start3A_149 : memref<1000xi32, #tpu.memory_space<hbm>>) target(%arg9 : memref<1000xi32, #tpu.memory_space<vmem>>) target_semaphore(%arg19 : memref<!tpu.dma_semaphore, #tpu.memory_space<semaphore_mem>>)
    %parallel_loop3A_150 = arith.constant 0 : i32
    %parallel_loop3A_151 = arith.constant 1000 : i32
    %parallel_loop3A_152 = arith.constant 1 : i32
    scf.for %parallel_loop3A_225 = %parallel_loop3A_150 to %parallel_loop3A_151 step %parallel_loop3A_152  : i32 {
      %parallel_loop3A_226 = arith.index_cast %parallel_loop3A_225 : i32 to index
      %parallel_loop3A_227 = arith.constant 0 : index
      %parallel_loop3A_228 = tpu.vector_load %arg11[%parallel_loop3A_226, %parallel_loop3A_227] {strides = array<i32>} : memref<1000x16xf32, #tpu.memory_space<vmem>>, vector<16xf32>,
      %parallel_loop3A_229 = arith.index_cast %parallel_loop3A_225 : i32 to index
      %parallel_loop3A_230 = arith.constant 0 : index
      %parallel_loop3A_231 = tpu.vector_load %arg13[%parallel_loop3A_229, %parallel_loop3A_230] {strides = array<i32>} : memref<1000x16xf32, #tpu.memory_space<vmem>>, vector<16xf32>,
      %parallel_loop3A_232 = arith.addf %parallel_loop3A_228, %parallel_loop3A_231 : vector<16xf32>
      %parallel_loop3A_233 = vector.broadcast %parallel_loop3A_225 : i32 to vector<16xi32>
      tpu.vector_store_idx %arg15[%iota3A, %parallel_loop3A_233], %parallel_loop3A_232 {add = true} : memref<16x1000xf32, #tpu.memory_space<vmem>>[vector<16xi32>, vector<16xi32>], vector<16xf32>,
    } {sc.loop_unroll_factor = 8 : i64, sc.parallel_access}
    %add3A_153 = arith.constant 2000 : i32
    %add3A_154 = arith.addi %mul3A_2, %add3A_153 : i32
    %dma_start3A_155 = arith.constant 0 : i32
    %dma_start3A_156 = tpu.memref_slice %arg6[%dma_start3A_155, %add3A_154] : memref<16x160000xf32, #tpu.memory_space<hbm>> -> memref<16x1000xf32, #tpu.memory_space<hbm>>
    %dma_start3A_157 = arith.constant 0 : i32
    %dma_start3A_158 = tpu.memref_slice %arg6[%dma_start3A_157, %add3A_154] : memref<16x160000xf32, #tpu.memory_space<hbm>> -> memref<16x1000xf32, #tpu.memory_space<hbm>>
    tpu.enqueue_dma source(%arg15 : memref<16x1000xf32, #tpu.memory_space<vmem>>) target(%dma_start3A_158 : memref<16x1000xf32, #tpu.memory_space<hbm>>) target_semaphore(%arg27 : memref<!tpu.dma_semaphore, #tpu.memory_space<semaphore_mem>>)
    %dma_wait3A_159 = arith.constant 0 : i32
    %dma_wait3A_160 = arith.constant 0 : i32
    %dma_wait3A_161 = tpu.memref_slice %arg2[%dma_wait3A_159, %dma_wait3A_160] : memref<80000x16xf32, #tpu.memory_space<hbm>> -> memref<80000x16xf32, #tpu.memory_space<hbm>>
    tpu.wait_indirect_dma semaphore(%arg22 : memref<!tpu.dma_semaphore, #tpu.memory_space<semaphore_mem>>) src(%dma_wait3A_161 : memref<80000x16xf32, #tpu.memory_space<hbm>>) dst(%arg12 : memref<1000x16xf32, #tpu.memory_space<vmem>>)
    %dma_wait3A_162 = arith.constant 0 : i32
    %dma_wait3A_163 = arith.constant 0 : i32
    %dma_wait3A_164 = tpu.memref_slice %arg2[%dma_wait3A_162, %dma_wait3A_163] : memref<80000x16xf32, #tpu.memory_space<hbm>> -> memref<80000x16xf32, #tpu.memory_space<hbm>>
    tpu.wait_indirect_dma semaphore(%arg24 : memref<!tpu.dma_semaphore, #tpu.memory_space<semaphore_mem>>) src(%dma_wait3A_164 : memref<80000x16xf32, #tpu.memory_space<hbm>>) dst(%arg14 : memref<1000x16xf32, #tpu.memory_space<vmem>>)
    %dma_wait3A_165 = arith.constant 0 : i32
    %dma_wait3A_166 = tpu.memref_slice %arg3[%dma_wait3A_165, %add3A_133] : memref<16x160000xf32, #tpu.memory_space<hbm>> -> memref<16x1000xf32, #tpu.memory_space<hbm>>
    %dma_wait3A_167 = arith.constant 0 : i32
    %dma_wait3A_168 = tpu.memref_slice %arg3[%dma_wait3A_167, %add3A_133] : memref<16x160000xf32, #tpu.memory_space<hbm>> -> memref<16x1000xf32, #tpu.memory_space<hbm>>
    tpu.wait_dma2 semaphore(%arg26 : memref<!tpu.dma_semaphore, #tpu.memory_space<semaphore_mem>>) src(%dma_wait3A_168 : memref<16x1000xf32, #tpu.memory_space<hbm>>) dst(%arg16 : memref<16x1000xf32, #tpu.memory_space<vmem>>)
    %dma_wait3A_169 = tpu.memref_slice %arg4[%add3A_145] : memref<160000xi32, #tpu.memory_space<hbm>> -> memref<1000xi32, #tpu.memory_space<hbm>>
    %dma_wait3A_170 = tpu.memref_slice %arg4[%add3A_145] : memref<160000xi32, #tpu.memory_space<hbm>> -> memref<1000xi32, #tpu.memory_space<hbm>>
    tpu.wait_dma2 semaphore(%arg17 : memref<!tpu.dma_semaphore, #tpu.memory_space<semaphore_mem>>) src(%dma_wait3A_170 : memref<1000xi32, #tpu.memory_space<hbm>>) dst(%arg7 : memref<1000xi32, #tpu.memory_space<vmem>>)
    %dma_wait3A_171 = tpu.memref_slice %arg5[%add3A_145] : memref<160000xi32, #tpu.memory_space<hbm>> -> memref<1000xi32, #tpu.memory_space<hbm>>
    %dma_wait3A_172 = tpu.memref_slice %arg5[%add3A_145] : memref<160000xi32, #tpu.memory_space<hbm>> -> memref<1000xi32, #tpu.memory_space<hbm>>
    tpu.wait_dma2 semaphore(%arg19 : memref<!tpu.dma_semaphore, #tpu.memory_space<semaphore_mem>>) src(%dma_wait3A_172 : memref<1000xi32, #tpu.memory_space<hbm>>) dst(%arg9 : memref<1000xi32, #tpu.memory_space<vmem>>)
    %dma_wait3A_173 = arith.constant 0 : i32
    %dma_wait3A_174 = tpu.memref_slice %arg6[%dma_wait3A_173, %add3A_154] : memref<16x160000xf32, #tpu.memory_space<hbm>> -> memref<16x1000xf32, #tpu.memory_space<hbm>>
    %dma_wait3A_175 = arith.constant 0 : i32
    %dma_wait3A_176 = tpu.memref_slice %arg6[%dma_wait3A_175, %add3A_154] : memref<16x160000xf32, #tpu.memory_space<hbm>> -> memref<16x1000xf32, #tpu.memory_space<hbm>>
    tpu.wait_dma2 semaphore(%arg27 : memref<!tpu.dma_semaphore, #tpu.memory_space<semaphore_mem>>) src(%arg15 : memref<16x1000xf32, #tpu.memory_space<vmem>>) dst(%dma_wait3A_176 : memref<16x1000xf32, #tpu.memory_space<hbm>>)
    %add3A_177 = arith.constant 4000 : i32
    %add3A_178 = arith.addi %mul3A_2, %add3A_177 : i32
    %dma_start3A_179 = arith.constant 0 : i32
    %dma_start3A_180 = arith.constant 0 : i32
    %dma_start3A_181 = tpu.memref_slice %arg2[%dma_start3A_179, %dma_start3A_180] : memref<80000x16xf32, #tpu.memory_space<hbm>> -> memref<80000x16xf32, #tpu.memory_space<hbm>>
    tpu.enqueue_indirect_dma source(%dma_start3A_181 : memref<80000x16xf32, #tpu.memory_space<hbm>>) target(%arg11 : memref<1000x16xf32, #tpu.memory_space<vmem>>) offsets(%arg7 : memref<1000xi32, #tpu.memory_space<vmem>>) semaphore(%arg21 : memref<!tpu.dma_semaphore, #tpu.memory_space<semaphore_mem>>)
    %dma_start3A_182 = arith.constant 0 : i32
    %dma_start3A_183 = arith.constant 0 : i32
    %dma_start3A_184 = tpu.memref_slice %arg2[%dma_start3A_182, %dma_start3A_183] : memref<80000x16xf32, #tpu.memory_space<hbm>> -> memref<80000x16xf32, #tpu.memory_space<hbm>>
    tpu.enqueue_indirect_dma source(%dma_start3A_184 : memref<80000x16xf32, #tpu.memory_space<hbm>>) target(%arg13 : memref<1000x16xf32, #tpu.memory_space<vmem>>) offsets(%arg9 : memref<1000xi32, #tpu.memory_space<vmem>>) semaphore(%arg23 : memref<!tpu.dma_semaphore, #tpu.memory_space<semaphore_mem>>)
    %dma_start3A_185 = arith.constant 0 : i32
    %dma_start3A_186 = tpu.memref_slice %arg3[%dma_start3A_185, %add3A_178] : memref<16x160000xf32, #tpu.memory_space<hbm>> -> memref<16x1000xf32, #tpu.memory_space<hbm>>
    %dma_start3A_187 = arith.constant 0 : i32
    %dma_start3A_188 = tpu.memref_slice %arg3[%dma_start3A_187, %add3A_178] : memref<16x160000xf32, #tpu.memory_space<hbm>> -> memref<16x1000xf32, #tpu.memory_space<hbm>>
    tpu.enqueue_dma source(%dma_start3A_188 : memref<16x1000xf32, #tpu.memory_space<hbm>>) target(%arg15 : memref<16x1000xf32, #tpu.memory_space<vmem>>) target_semaphore(%arg25 : memref<!tpu.dma_semaphore, #tpu.memory_space<semaphore_mem>>)
    %parallel_loop3A_189 = arith.constant 0 : i32
    %parallel_loop3A_190 = arith.constant 1000 : i32
    %parallel_loop3A_191 = arith.constant 1 : i32
    scf.for %parallel_loop3A_225 = %parallel_loop3A_189 to %parallel_loop3A_190 step %parallel_loop3A_191  : i32 {
      %parallel_loop3A_226 = arith.index_cast %parallel_loop3A_225 : i32 to index
      %parallel_loop3A_227 = arith.constant 0 : index
      %parallel_loop3A_228 = tpu.vector_load %arg12[%parallel_loop3A_226, %parallel_loop3A_227] {strides = array<i32>} : memref<1000x16xf32, #tpu.memory_space<vmem>>, vector<16xf32>,
      %parallel_loop3A_229 = arith.index_cast %parallel_loop3A_225 : i32 to index
      %parallel_loop3A_230 = arith.constant 0 : index
      %parallel_loop3A_231 = tpu.vector_load %arg14[%parallel_loop3A_229, %parallel_loop3A_230] {strides = array<i32>} : memref<1000x16xf32, #tpu.memory_space<vmem>>, vector<16xf32>,
      %parallel_loop3A_232 = arith.addf %parallel_loop3A_228, %parallel_loop3A_231 : vector<16xf32>
      %parallel_loop3A_233 = vector.broadcast %parallel_loop3A_225 : i32 to vector<16xi32>
      tpu.vector_store_idx %arg16[%iota3A, %parallel_loop3A_233], %parallel_loop3A_232 {add = true} : memref<16x1000xf32, #tpu.memory_space<vmem>>[vector<16xi32>, vector<16xi32>], vector<16xf32>,
    } {sc.loop_unroll_factor = 8 : i64, sc.parallel_access}
    %add3A_192 = arith.constant 3000 : i32
    %add3A_193 = arith.addi %mul3A_2, %add3A_192 : i32
    %dma_start3A_194 = arith.constant 0 : i32
    %dma_start3A_195 = tpu.memref_slice %arg6[%dma_start3A_194, %add3A_193] : memref<16x160000xf32, #tpu.memory_space<hbm>> -> memref<16x1000xf32, #tpu.memory_space<hbm>>
    %dma_start3A_196 = arith.constant 0 : i32
    %dma_start3A_197 = tpu.memref_slice %arg6[%dma_start3A_196, %add3A_193] : memref<16x160000xf32, #tpu.memory_space<hbm>> -> memref<16x1000xf32, #tpu.memory_space<hbm>>
    tpu.enqueue_dma source(%arg16 : memref<16x1000xf32, #tpu.memory_space<vmem>>) target(%dma_start3A_197 : memref<16x1000xf32, #tpu.memory_space<hbm>>) target_semaphore(%arg28 : memref<!tpu.dma_semaphore, #tpu.memory_space<semaphore_mem>>)
    %dma_wait3A_198 = arith.constant 0 : i32
    %dma_wait3A_199 = arith.constant 0 : i32
    %dma_wait3A_200 = tpu.memref_slice %arg2[%dma_wait3A_198, %dma_wait3A_199] : memref<80000x16xf32, #tpu.memory_space<hbm>> -> memref<80000x16xf32, #tpu.memory_space<hbm>>
    tpu.wait_indirect_dma semaphore(%arg21 : memref<!tpu.dma_semaphore, #tpu.memory_space<semaphore_mem>>) src(%dma_wait3A_200 : memref<80000x16xf32, #tpu.memory_space<hbm>>) dst(%arg11 : memref<1000x16xf32, #tpu.memory_space<vmem>>)
    %dma_wait3A_201 = arith.constant 0 : i32
    %dma_wait3A_202 = arith.constant 0 : i32
    %dma_wait3A_203 = tpu.memref_slice %arg2[%dma_wait3A_201, %dma_wait3A_202] : memref<80000x16xf32, #tpu.memory_space<hbm>> -> memref<80000x16xf32, #tpu.memory_space<hbm>>
    tpu.wait_indirect_dma semaphore(%arg23 : memref<!tpu.dma_semaphore, #tpu.memory_space<semaphore_mem>>) src(%dma_wait3A_203 : memref<80000x16xf32, #tpu.memory_space<hbm>>) dst(%arg13 : memref<1000x16xf32, #tpu.memory_space<vmem>>)
    %dma_wait3A_204 = arith.constant 0 : i32
    %dma_wait3A_205 = tpu.memref_slice %arg3[%dma_wait3A_204, %add3A_178] : memref<16x160000xf32, #tpu.memory_space<hbm>> -> memref<16x1000xf32, #tpu.memory_space<hbm>>
    %dma_wait3A_206 = arith.constant 0 : i32
    %dma_wait3A_207 = tpu.memref_slice %arg3[%dma_wait3A_206, %add3A_178] : memref<16x160000xf32, #tpu.memory_space<hbm>> -> memref<16x1000xf32, #tpu.memory_space<hbm>>
    tpu.wait_dma2 semaphore(%arg25 : memref<!tpu.dma_semaphore, #tpu.memory_space<semaphore_mem>>) src(%dma_wait3A_207 : memref<16x1000xf32, #tpu.memory_space<hbm>>) dst(%arg15 : memref<16x1000xf32, #tpu.memory_space<vmem>>)
    %parallel_loop3A_208 = arith.constant 0 : i32
    %parallel_loop3A_209 = arith.constant 1000 : i32
    %parallel_loop3A_210 = arith.constant 1 : i32
    scf.for %parallel_loop3A_225 = %parallel_loop3A_208 to %parallel_loop3A_209 step %parallel_loop3A_210  : i32 {
      %parallel_loop3A_226 = arith.index_cast %parallel_loop3A_225 : i32 to index
      %parallel_loop3A_227 = arith.constant 0 : index
      %parallel_loop3A_228 = tpu.vector_load %arg11[%parallel_loop3A_226, %parallel_loop3A_227] {strides = array<i32>} : memref<1000x16xf32, #tpu.memory_space<vmem>>, vector<16xf32>,
      %parallel_loop3A_229 = arith.index_cast %parallel_loop3A_225 : i32 to index
      %parallel_loop3A_230 = arith.constant 0 : index
      %parallel_loop3A_231 = tpu.vector_load %arg13[%parallel_loop3A_229, %parallel_loop3A_230] {strides = array<i32>} : memref<1000x16xf32, #tpu.memory_space<vmem>>, vector<16xf32>,
      %parallel_loop3A_232 = arith.addf %parallel_loop3A_228, %parallel_loop3A_231 : vector<16xf32>
      %parallel_loop3A_233 = vector.broadcast %parallel_loop3A_225 : i32 to vector<16xi32>
      tpu.vector_store_idx %arg15[%iota3A, %parallel_loop3A_233], %parallel_loop3A_232 {add = true} : memref<16x1000xf32, #tpu.memory_space<vmem>>[vector<16xi32>, vector<16xi32>], vector<16xf32>,
    } {sc.loop_unroll_factor = 8 : i64, sc.parallel_access}
    %add3A_211 = arith.constant 4000 : i32
    %add3A_212 = arith.addi %mul3A_2, %add3A_211 : i32
    %dma_start3A_213 = arith.constant 0 : i32
    %dma_start3A_214 = tpu.memref_slice %arg6[%dma_start3A_213, %add3A_212] : memref<16x160000xf32, #tpu.memory_space<hbm>> -> memref<16x1000xf32, #tpu.memory_space<hbm>>
    %dma_start3A_215 = arith.constant 0 : i32
    %dma_start3A_216 = tpu.memref_slice %arg6[%dma_start3A_215, %add3A_212] : memref<16x160000xf32, #tpu.memory_space<hbm>> -> memref<16x1000xf32, #tpu.memory_space<hbm>>
    tpu.enqueue_dma source(%arg15 : memref<16x1000xf32, #tpu.memory_space<vmem>>) target(%dma_start3A_216 : memref<16x1000xf32, #tpu.memory_space<hbm>>) target_semaphore(%arg27 : memref<!tpu.dma_semaphore, #tpu.memory_space<semaphore_mem>>)
    %dma_wait3A_217 = arith.constant 0 : i32
    %dma_wait3A_218 = tpu.memref_slice %arg6[%dma_wait3A_217, %add3A_193] : memref<16x160000xf32, #tpu.memory_space<hbm>> -> memref<16x1000xf32, #tpu.memory_space<hbm>>
    %dma_wait3A_219 = arith.constant 0 : i32
    %dma_wait3A_220 = tpu.memref_slice %arg6[%dma_wait3A_219, %add3A_193] : memref<16x160000xf32, #tpu.memory_space<hbm>> -> memref<16x1000xf32, #tpu.memory_space<hbm>>
    tpu.wait_dma2 semaphore(%arg28 : memref<!tpu.dma_semaphore, #tpu.memory_space<semaphore_mem>>) src(%arg16 : memref<16x1000xf32, #tpu.memory_space<vmem>>) dst(%dma_wait3A_220 : memref<16x1000xf32, #tpu.memory_space<hbm>>)
    %dma_wait3A_221 = arith.constant 0 : i32
    %dma_wait3A_222 = tpu.memref_slice %arg6[%dma_wait3A_221, %add3A_212] : memref<16x160000xf32, #tpu.memory_space<hbm>> -> memref<16x1000xf32, #tpu.memory_space<hbm>>
    %dma_wait3A_223 = arith.constant 0 : i32
    %dma_wait3A_224 = tpu.memref_slice %arg6[%dma_wait3A_223, %add3A_212] : memref<16x160000xf32, #tpu.memory_space<hbm>> -> memref<16x1000xf32, #tpu.memory_space<hbm>>
    tpu.wait_dma2 semaphore(%arg27 : memref<!tpu.dma_semaphore, #tpu.memory_space<semaphore_mem>>) src(%arg15 : memref<16x1000xf32, #tpu.memory_space<vmem>>) dst(%dma_wait3A_224 : memref<16x1000xf32, #tpu.memory_space<hbm>>)
    return
  }
}

module attributes {stable_mosaic.version = 14 : i64} {
  func.func @_baseT_body(%arg0: i32, %arg1: memref<16x16000xf32, #tpu.memory_space<vmem>>, %arg2: memref<16x16xf32, #tpu.memory_space<vmem>>, %arg3: memref<16x16000xf32, #tpu.memory_space<vmem>>) attributes {dimension_semantics = [#tpu.dimension_semantics<arbitrary>], iteration_bounds = array<i64: 10>, scalar_prefetch = 0 : i64, scratch_operands = 0 : i64, tpu.core_type = #tpu.core_type<tc>, window_params = [{transform_indices = @transform_0, window_bounds = array<i64: 16, 16000>}, {pipeline_mode = #tpu.pipeline_mode<synchronous>, transform_indices = @transform_1, window_bounds = array<i64: 16, 16>}, {transform_indices = @transform_2, window_bounds = array<i64: 16, 16000>}]} {
    %get3A = arith.constant 0 : index
    %get3A_0 = arith.constant 0 : index
    %get3A_1 = vector.load %arg2[%get3A, %get3A_0] : memref<16x16xf32, #tpu.memory_space<vmem>>, vector<16x16xf32>
    %get3A_2 = arith.constant 0 : index
    %get3A_3 = arith.constant 0 : index
    %get3A_4 = vector.load %arg1[%get3A_2, %get3A_3] : memref<16x16000xf32, #tpu.memory_space<vmem>>, vector<16x16000xf32>
    %dot_general3A = arith.constant dense<0.000000e+00> : vector<16x16000xf32>
    %dot_general3A_5 = tpu.matmul %get3A_1, %get3A_4, %dot_general3A {dimension_numbers = #tpu.dot_dimension_numbers<[1], [0], [0], [1], [0, 0, 1, 1], [], []>, transpose_lhs_hint = false} : vector<16x16xf32>, vector<16x16000xf32>, vector<16x16000xf32> -> vector<16x16000xf32>
    %swap3A = arith.constant 0 : index
    %swap3A_6 = arith.constant 0 : index
    %swap3A_7 = vector.load %arg3[%swap3A, %swap3A_6] : memref<16x16000xf32, #tpu.memory_space<vmem>>, vector<16x16000xf32>
    tpu.vector_store %arg3[%swap3A, %swap3A_6], %dot_general3A_5 {strides = array<i32>} : memref<16x16000xf32, #tpu.memory_space<vmem>>, vector<16x16000xf32>,
    return
  }
  func.func @transform_0(%arg0: i32) -> (i32, i32) {
    %c0_i32 = arith.constant 0 : i32
    %c0_i32_0 = arith.constant 0 : i32
    return %c0_i32, %arg0 : i32, i32
  }
  func.func @transform_1(%arg0: i32) -> (i32, i32) {
    %c0_i32 = arith.constant 0 : i32
    %c0_i32_0 = arith.constant 0 : i32
    %c0_i32_1 = arith.constant 0 : i32
    return %c0_i32, %c0_i32_0 : i32, i32
  }
  func.func @transform_2(%arg0: i32) -> (i32, i32) {
    %c0_i32 = arith.constant 0 : i32
    %c0_i32_0 = arith.constant 0 : i32
    return %c0_i32, %arg0 : i32, i32
  }
}

module attributes {stable_mosaic.version = 14 : i64} {
  func.func @_project_body(%arg0: i32, %arg1: memref<2000x256xf32, #tpu.memory_space<vmem>>, %arg2: memref<16x256xf32, #tpu.memory_space<vmem>>, %arg3: memref<16x256xf32, #tpu.memory_space<vmem>>, %arg4: memref<1x64xf32, #tpu.memory_space<vmem>>, %arg5: memref<16x64xf32, #tpu.memory_space<vmem>>, %arg6: memref<1x16xf32, #tpu.memory_space<vmem>>, %arg7: memref<2000x128xf32, #tpu.memory_space<vmem>>) attributes {dimension_semantics = [#tpu.dimension_semantics<arbitrary>], iteration_bounds = array<i64: 5>, scalar_prefetch = 0 : i64, scratch_operands = 0 : i64, tpu.core_type = #tpu.core_type<tc>, window_params = [{transform_indices = @transform_0, window_bounds = array<i64: 2000, 256>}, {pipeline_mode = #tpu.pipeline_mode<synchronous>, transform_indices = @transform_1, window_bounds = array<i64: 16, 256>}, {pipeline_mode = #tpu.pipeline_mode<synchronous>, transform_indices = @transform_2, window_bounds = array<i64: 16, 256>}, {pipeline_mode = #tpu.pipeline_mode<synchronous>, transform_indices = @transform_3, window_bounds = array<i64: 1, 64>}, {pipeline_mode = #tpu.pipeline_mode<synchronous>, transform_indices = @transform_4, window_bounds = array<i64: 16, 64>}, {pipeline_mode = #tpu.pipeline_mode<synchronous>, transform_indices = @transform_5, window_bounds = array<i64: 1, 16>}, {transform_indices = @transform_6, window_bounds = array<i64: 2000, 128>}]} {
    %get3A = arith.constant 0 : index
    %get3A_0 = arith.constant 0 : index
    %get3A_1 = vector.load %arg1[%get3A, %get3A_0] : memref<2000x256xf32, #tpu.memory_space<vmem>>, vector<2000x256xf32>
    %get3A_2 = arith.constant 0 : index
    %get3A_3 = arith.constant 0 : index
    %get3A_4 = vector.load %arg4[%get3A_2, %get3A_3] : memref<1x64xf32, #tpu.memory_space<vmem>>, vector<1x64xf32>
    %get3A_5 = arith.constant 0 : index
    %get3A_6 = arith.constant 0 : index
    %get3A_7 = vector.load %arg5[%get3A_5, %get3A_6] : memref<16x64xf32, #tpu.memory_space<vmem>>, vector<16x64xf32>
    %dot_general3A = arith.constant dense<0.000000e+00> : vector<1x16xf32>
    %dot_general3A_8 = tpu.matmul %get3A_4, %get3A_7, %dot_general3A {dimension_numbers = #tpu.dot_dimension_numbers<[1], [1], [0], [0], [0, 0, 1, 0], [], []>, transpose_lhs_hint = false} : vector<1x64xf32>, vector<16x64xf32>, vector<1x16xf32> -> vector<1x16xf32>
    %get3A_9 = arith.constant 0 : index
    %get3A_10 = arith.constant 0 : index
    %get3A_11 = vector.load %arg6[%get3A_9, %get3A_10] : memref<1x16xf32, #tpu.memory_space<vmem>>, vector<1x16xf32>
    %add3A = arith.addf %dot_general3A_8, %get3A_11 : vector<1x16xf32>
    %get3A_12 = arith.constant 0 : index
    %get3A_13 = arith.constant 0 : index
    %get3A_14 = vector.load %arg2[%get3A_12, %get3A_13] : memref<16x256xf32, #tpu.memory_space<vmem>>, vector<16x256xf32>
    %dot_general3A_15 = arith.constant dense<0.000000e+00> : vector<2000x16xf32>
    %dot_general3A_16 = tpu.matmul %get3A_1, %get3A_14, %dot_general3A_15 {dimension_numbers = #tpu.dot_dimension_numbers<[1], [1], [0], [0], [0, 0, 1, 0], [], []>, transpose_lhs_hint = false} : vector<2000x256xf32>, vector<16x256xf32>, vector<2000x16xf32> -> vector<2000x16xf32>
    %add3A_17 = vector.broadcast %add3A : vector<1x16xf32> to vector<2000x16xf32>
    %add3A_18 = arith.addf %dot_general3A_16, %add3A_17 : vector<2000x16xf32>
    %get3A_19 = arith.constant 0 : index
    %get3A_20 = arith.constant 0 : index
    %get3A_21 = vector.load %arg3[%get3A_19, %get3A_20] : memref<16x256xf32, #tpu.memory_space<vmem>>, vector<16x256xf32>
    %dot_general3A_22 = arith.constant dense<0.000000e+00> : vector<2000x16xf32>
    %dot_general3A_23 = tpu.matmul %get3A_1, %get3A_21, %dot_general3A_22 {dimension_numbers = #tpu.dot_dimension_numbers<[1], [1], [0], [0], [0, 0, 1, 0], [], []>, transpose_lhs_hint = false} : vector<2000x256xf32>, vector<16x256xf32>, vector<2000x16xf32> -> vector<2000x16xf32>
    %broadcast_in_dim3A = arith.constant 0.000000e+00 : f32
    %broadcast_in_dim3A_24 = vector.broadcast %broadcast_in_dim3A : f32 to vector<2000x96xf32>
    %concatenate3A = tpu.concatenate %add3A_18, %dot_general3A_23, %broadcast_in_dim3A_24 in 1 : vector<2000x16xf32>, vector<2000x16xf32>, vector<2000x96xf32> -> vector<2000x128xf32>
    %swap3A = arith.constant 0 : index
    %swap3A_25 = arith.constant 0 : index
    %swap3A_26 = vector.load %arg7[%swap3A, %swap3A_25] : memref<2000x128xf32, #tpu.memory_space<vmem>>, vector<2000x128xf32>
    tpu.vector_store %arg7[%swap3A, %swap3A_25], %concatenate3A {strides = array<i32>} : memref<2000x128xf32, #tpu.memory_space<vmem>>, vector<2000x128xf32>,
    return
  }
  func.func @transform_0(%arg0: i32) -> (i32, i32) {
    %c0_i32 = arith.constant 0 : i32
    %c0_i32_0 = arith.constant 0 : i32
    return %arg0, %c0_i32 : i32, i32
  }
  func.func @transform_1(%arg0: i32) -> (i32, i32) {
    %c0_i32 = arith.constant 0 : i32
    %c0_i32_0 = arith.constant 0 : i32
    %c0_i32_1 = arith.constant 0 : i32
    return %c0_i32, %c0_i32_0 : i32, i32
  }
  func.func @transform_2(%arg0: i32) -> (i32, i32) {
    %c0_i32 = arith.constant 0 : i32
    %c0_i32_0 = arith.constant 0 : i32
    %c0_i32_1 = arith.constant 0 : i32
    return %c0_i32, %c0_i32_0 : i32, i32
  }
  func.func @transform_3(%arg0: i32) -> (i32, i32) {
    %c0_i32 = arith.constant 0 : i32
    %c0_i32_0 = arith.constant 0 : i32
    %c0_i32_1 = arith.constant 0 : i32
    return %c0_i32, %c0_i32_0 : i32, i32
  }
  func.func @transform_4(%arg0: i32) -> (i32, i32) {
    %c0_i32 = arith.constant 0 : i32
    %c0_i32_0 = arith.constant 0 : i32
    %c0_i32_1 = arith.constant 0 : i32
    return %c0_i32, %c0_i32_0 : i32, i32
  }
  func.func @transform_5(%arg0: i32) -> (i32, i32) {
    %c0_i32 = arith.constant 0 : i32
    %c0_i32_0 = arith.constant 0 : i32
    %c0_i32_1 = arith.constant 0 : i32
    return %c0_i32, %c0_i32_0 : i32, i32
  }
  func.func @transform_6(%arg0: i32) -> (i32, i32) {
    %c0_i32 = arith.constant 0 : i32
    %c0_i32_0 = arith.constant 0 : i32
    return %arg0, %c0_i32 : i32, i32
  }
}

</mosaic_0001>

<sc_bundles>
// kernel: kernel.5.cloned.1.call-start
scs
__scs_entry_jumppad:
0x0: {  	(pc) =	sbr.rel $0x88, $3  }
0x1: {  	(tag) =	ssettag $0x0;
	lr =	simm.s32 $0x1  }
0x2: {  	[smem:$0x3F9A] =	sst lr;
	_ =	strace $0xD0000000  }
0x3: {  	_ = 	snop  }
0x4: {  	_ = 	snop  }
0x5: {  	_ = 	snop  }
0x6: {  	_ = 	snop  }
0x7: {  	_ = 	snop  }
__scs_overlays_trampoline_lowered:
0x8: {  	[smem:$0x3FA9] =	sst s0  }
0x9: {  	[smem:$0x3FAA] =	sst s1  }
0xa: {  	[smem:$0x3FAB] =	sst s2  }
0xb: {  	[smem:$0x3FAC] =	sst s3  }
0xc: {  	[smem:$0x3FAD] =	sst s4  }
0xd: {  	[smem:$0x3FAE] =	sst s5  }
0xe: {  	[smem:$0x3FAF] =	sst s6  }
0xf: {  	[smem:$0x3FB0] =	sst s7  }
0x10: {  	[smem:$0x3FB1] =	sst s8  }
0x11: {  	[smem:$0x3FB2] =	sst s9;
	s0 =	simm.s32 @!p0 $0x0  }
0x12: {  	s1 =	sld [smem:$0x3F98];
	s0 =	simm.s32 @p0 $0x1  }
0x13: {  	[smem:$0x3FB3] =	sst s0;
	s0 =	simm.s32 @!p1 $0x0  }
0x14: {  	s2 =	sld [smem:$0x3F97];
	s0 =	simm.s32 @p1 $0x1  }
0x15: {  	[smem:$0x3FB4] =	sst s0;
	s0 =	simm.s32 @!p2 $0x0  }
0x16: {  	s3 =	sld [smem:$0x3FDB];
	s0 =	simm.s32 @p2 $0x1  }
0x17: {  	s4 =	simm.s32 $0x1BF5;
	[smem:$0x3FB6] =	sst s0  }
0x18: {  	s0 =	sld [smem:$0x3F99];
	_ =	swait.ge [sflag:s4], $0x0  }
0x19: {  	s7 =	sld [smem:$0x3F9A]  }
0x1a: {  	s8 =	sadd.s32 $0xFFFFE003, lr  }
0x1b: {  	s9 =	sadd.s32 $0xFFFFFEF7, lr;
	s5 =	simm.s32 $0xFFFFFFFF;
	p2 =	slt.u32 s8, $0xFFFFF086  }
0x1c: {  	p1 =	slt.u32 s9, $0xF7A;
	s5 =	simm.s32 @!p2 $0x0  }
0x1d: {  	s5 =	simm.s32 @p1 $0x1;
	p0 =	seq.s32 s7, s2  }
0x1e: {  	s7 =	smul.u32 @!p0 $0xF7A, s2;
	p2 =	seq.s32 @!p0 s5, $0x0  }
0x1f: {  	s9 =	smul.u32 $0xF7A, s1;
	s8 =	simm.s32 @!p0 $0x1BF5;
	p2 =	por !p2, p0  }
0x20: {  	[sflag:s8] =	ssyncset.s32 @!p0 $0xFFFFF086;
	s6 =	sadd.s32 @!p0 s3, s7;
	s7 =	simm.s32 @!p0 $0x108  }
0x21: {  	s3 =	sadd.s32 s3, s9;
	s6 =	sadd.s32 @!p0 $0x88, s6;
	s7 =	simm.s32 @p2 $0x1082  }
0x22: {  	[simem:s7], [sflag:s8] =	dma.local @!p0 [hbm:s6], $0xF7A  }
0x23: {  	s9 =	sor.u32 $0xD0000000, s2;
	s6 =	simm.s32 $0x108;
	_ =	swait.ge @!p0 [sflag:s8], $0x0  }
0x24: {  	s3 =	sadd.s32 $0x88, s3;
	s6 =	simm.s32 @!p1 $0x1082;
	[sflag:s4] =	ssyncset.s32 $0xFFFFF086  }
0x25: {  	[simem:s6], [sflag:s4] =	dma.local [hbm:s3], $0xF7A  }
0x26: {  	[smem:$0x3F9A] =	sst s1;
	(tag) =	ssettag s2;
	_ =	strace s9  }
0x27: {  	s1 =	sld [smem:$0x3FAA]  }
0x28: {  	s2 =	sld [smem:$0x3FAB]  }
0x29: {  	s4 =	sld [smem:$0x3FAD]  }
0x2a: {  	p0 =	seq.s32 s5, $0x0;
	s5 =	sld [smem:$0x3FAE]  }
0x2b: {  	s6 =	sld [smem:$0x3FAF]  }
0x2c: {  	s7 =	sld [smem:$0x3FB0]  }
0x2d: {  	s3 =	simm.s32 $0x108;
	s8 =	sld [smem:$0x3FB1]  }
0x2e: {  	s3 =	simm.s32 @!p0 $0x1082;
	s9 =	sld [smem:$0x3FB2]  }
0x2f: {  	lr =	sadd.s32 s0, s3;
	s0 =	sld [smem:$0x3FA9]  }
0x30: {  	s3 =	sld [smem:$0x3FAC]  }
0x31: {  	[smem:$0x3FB5] =	sst s10  }
0x32: {  	s10 =	sld [smem:$0x3FB3];
	_ =	sdelay $0x3  }
0x33: {  	p0 =	seq.s32 s10, $0x1;
	s10 =	sld [smem:$0x3FB5];
	_ =	sdelay $0x3  }
0x34: {  	[smem:$0x3FB5] =	sst s10  }
0x35: {  	s10 =	sld [smem:$0x3FB4];
	_ =	sdelay $0x3  }
0x36: {  	p1 =	seq.s32 s10, $0x1;
	s10 =	sld [smem:$0x3FB5];
	_ =	sdelay $0x3  }
0x37: {  	[smem:$0x3FB5] =	sst s10  }
0x38: {  	s10 =	sld [smem:$0x3FB6]  }
0x39: {  	_ = 	snop;
	(pc) =	sbr.ind lr, $3  }
0x3a: {  	_ = 	snop  }
0x3b: {  	_ = 	snop  }
0x3c: {  	p2 =	seq.s32 s10, $0x1;
	s10 =	sld [smem:$0x3FB5]  }
0x3d: {  	_ =	shalt  }
0x3e: {  	_ =	shalt  }
0x3f: {  	_ =	shalt  }
0x40: {  	_ =	shalt  }
0x41: {  	_ =	shalt  }
0x42: {  	_ =	shalt  }
0x43: {  	_ =	shalt  }
0x44: {  	_ =	shalt  }
0x45: {  	_ =	shalt  }
0x46: {  	_ =	shalt  }
0x47: {  	_ =	shalt  }
0x48: {  	_ =	shalt  }
0x49: {  	_ =	shalt  }
0x4a: {  	_ =	shalt  }
0x4b: {  	_ =	shalt  }
0x4c: {  	_ =	shalt  }
0x4d: {  	_ =	shalt  }
0x4e: {  	_ =	shalt  }
0x4f: {  	_ =	shalt  }
0x50: {  	_ =	shalt  }
0x51: {  	_ =	shalt  }
0x52: {  	_ =	shalt  }
0x53: {  	_ =	shalt  }
0x54: {  	_ =	shalt  }
0x55: {  	_ =	shalt  }
0x56: {  	_ =	shalt  }
0x57: {  	_ =	shalt  }
0x58: {  	_ =	shalt  }
0x59: {  	_ =	shalt  }
0x5a: {  	_ =	shalt  }
0x5b: {  	_ =	shalt  }
0x5c: {  	_ =	shalt  }
0x5d: {  	_ =	shalt  }
0x5e: {  	_ =	shalt  }
0x5f: {  	_ =	shalt  }
0x60: {  	_ =	shalt  }
0x61: {  	_ =	shalt  }
0x62: {  	_ =	shalt  }
0x63: {  	_ =	shalt  }
0x64: {  	_ =	shalt  }
0x65: {  	_ =	shalt  }
0x66: {  	_ =	shalt  }
0x67: {  	_ =	shalt  }
0x68: {  	_ =	shalt  }
0x69: {  	_ =	shalt  }
0x6a: {  	_ =	shalt  }
0x6b: {  	_ =	shalt  }
0x6c: {  	_ =	shalt  }
0x6d: {  	_ =	shalt  }
0x6e: {  	_ =	shalt  }
0x6f: {  	_ =	shalt  }
0x70: {  	_ =	shalt  }
0x71: {  	_ =	shalt  }
0x72: {  	_ =	shalt  }
0x73: {  	_ =	shalt  }
0x74: {  	_ =	shalt  }
0x75: {  	_ =	shalt  }
0x76: {  	_ =	shalt  }
0x77: {  	_ =	shalt  }
0x78: {  	_ =	shalt  }
0x79: {  	_ =	shalt  }
0x7a: {  	_ =	shalt  }
0x7b: {  	_ =	shalt  }
0x7c: {  	_ =	shalt  }
0x7d: {  	_ =	shalt  }
0x7e: {  	_ =	shalt  }
0x7f: {  	_ =	shalt  }
0x80: {  	_ =	shalt  }
0x81: {  	_ =	shalt  }
0x82: {  	_ =	shalt  }
0x83: {  	_ =	shalt  }
0x84: {  	_ =	shalt  }
0x85: {  	_ =	shalt  }
0x86: {  	_ =	shalt  }
0x87: {  	_ =	shalt  }
.Lfunc_end0:
.L_simem_size_0:
called_computation_lowered:
.L_overlay_start_0:
0x88: {  	s2 =	sld [smem:$0x3FD9]  }
0x89: {  	s3 =	sld [smem:$0x3FFE];
	_ =	sdelay $0x1  }
0x8a: {  	s1 =	srdreg.scid  }
0x8b: {  	s0 =	sand.u32 $0x1, s1  }
0x8c: {  	s17 =	sshll.u32 s0, $0xA;
	s2 =	sadd.s32 s3, s2  }
0x8d: {  	s2 =	sadd.s32 s2, s17  }
0x8e: {  	[smem:$0x3FC1] =	sst s2  }
0x8f: {  	_ = 	snop  }
0x90: {  	s2 =	sld [smem:$0x3FD0];
	(tm) =	ssettm $0x1  }
0x91: {  	s18 =	sld [smem:$0x3FFB];
	_ =	sdelay $0x3  }
0x92: {  	_ =	strace s18  }
0x93: {  	s3 =	sld [smem:$0x3FFC];
	_ =	sdelay $0x3  }
0x94: {  	_ =	strace s3  }
0x95: {  	s3 =	sld [smem:$0x3FFD];
	_ =	sdelay $0x3  }
0x96: {  	_ =	strace s3  }
0x97: {  	_ =	strace $0x8FFFFFFF  }
0x98: {  	s19 =	sld [smem:$0x3FDB];
	_ =	sdelay $0x1  }
0x99: {  	s4 =	simm.s32 $_scs_section_size  }
0x9a: {  	s5 =	simm.s32 $_size__tile_overlayer_lowered;
	s6 =	simm.s32 $_tile_overlayer_lowered  }
0x9b: {  	s22 =	simm.s32 $0x1BFF;
	s21 =	sshll.u32 s6, $0x1;
	s3 =	sadd.s32 s4, s19  }
0x9c: {  	s7 =	simm.s32 $0x0;
	s20 =	sshll.u32 s5, $0x1;
	s5 =	sadd.s32 s21, s3  }
0x9d: {  	[timem:s7], [sflag:s22] =	dma.local [hbm:s5], s20  }
0x9e: {  	_ =	swait.ge [sflag:s22], s20  }
0x9f: {  	s4 =	ssub.s32 $0x0, s20;
	[sflag:s22] =	ssyncset.done $0x0  }
0xa0: {  	[sflag:s22] =	ssyncadd.s32 s4;
	_ =	sdelay $0x1  }
0xa1: {  	s23 =	simm.s32 $0x1B8B  }
0xa2: {  	_ =	swait.ge [sflag:s23], $0x1  }
0xa3: {  	[sflag:s23] =	ssyncset.done $0x0  }
0xa4: {  	s25 =	simm.s32 $0x1B8E;
	s24 =	sld [smem:$0x3FFE];
	[sflag:s23] =	ssyncadd.s32 $0xFFFFFFFF  }
0xa5: {  	s26 =	simm.s32 $execute0_lowered;
	[smem:$0x3FD2] =	sst s25  }
0xa6: {  	s5 =	sshll.u32 s26, $0x1;
	_ =	strace $0x80000046;
	[dreg:$0x1] =	wrdreg $0xFFFFFFFF  }
0xa7: {  	s28 =	simm.s32 $_size_execute0_lowered;
	s3 =	sadd.s32 s3, s5;
	[dreg:$0x0] =	wrdreg $0x0  }
0xa8: {  	s5 =	sshll.u32 s28, $0x1;
	[dreg:$0x2] =	wrdreg s3  }
0xa9: {  	[dreg:$0x3] =	wrdreg s5  }
0xaa: {  	[dreg:$0x4] =	wrdreg $0xC0  }
0xab: {  	_ =	task [dreg:s7], $0x5FFFF  }
0xac: {  	[dreg:$0x1] =	wrdreg $0xFFFFFFFF  }
0xad: {  	[dreg:$0x0] =	wrdreg $0x60  }
0xae: {  	[dreg:$0x2] =	wrdreg s24  }
0xaf: {  	[dreg:$0x3] =	wrdreg s2  }
0xb0: {  	[dreg:$0x4] =	wrdreg $0x9  }
0xb1: {  	_ =	task.clear_ibuf [dreg:s7], $0x5FFFF;
	_ =	strace $0x90000046  }
0xb2: {  	s29 =	simm.s32 $0x9;
	_ =	strace $0x80000048  }
0xb3: {  	_ =	swait.ge [sflag:s29], $0x1  }
0xb4: {  	[sflag:s29] =	ssyncadd.s32 $0xFFFFFFFF  }
0xb5: {  	_ =	strace $0x90000048  }
0xb6: {  	_ =	sfence  }
0xb7: {  	s30 =	sld [smem:$0x0];
	_ =	sdelay $0x2  }
0xb8: {  	s31 =	sshll.u32 s1, $0xD;
	s1 =	sshrl.u32 s1, $0x2  }
0xb9: {  	s3 =	sand.u32 $0x4000, s31;
	s1 =	sadd.s32 s1, s30  }
0xba: {  	s0 =	sor.u32 s3, s0;
	s1 =	sshll.u32 s1, $0x11  }
0xbb: {  	s0 =	sor.u32 s1, s0  }
0xbc: {  	s0 =	sadd.s32 $0x8F2B, s0  }
0xbd: {  	[sflag:s0] =	ssyncadd.remote.s32 $0x1  }
0xbe: {  	_ =	sfence.sel $0xFFFF  }
0xbf: {  	[dreg:$0x0] =	wrdreg $0xFFFFFFFF;
	(pc) =	sbr.abs _section_cstart, $3  }
0xc0: {  	[dreg:$0x1] =	wrdreg $0xFFFFFFFF  }
0xc1: {  	_ =	task.clear_ibuf [dreg:s7], $0x2FFFF;
	_ =	strace $0x9FFFFFFF  }
0xc2: {  	(tm) =	ssettm $0x7FFFFFFF  }
0xc3: {  	_ =	shalt  }
tec
execute0_lowered:
.L_overlay_start_1:
0x0: {  	(tag) =	ssettag $0x1  }
0x1: {  	s3 =	srdreg.scid;
	s5 =	stileid.u32  }
0x2: {  	s0 =	rddreg [dreg:$0x0];
	s4 =	sand.u32 $0x1, s3;
	s9 =	sshll.u32 s5, $0x1  }
0x3: {  	s1 =	rddreg [dreg:$0x1];
	s2 =	simm.s32 $0x0;
	s5 =	sor.u32 s4, s9  }
0x4: {  	[smem:$0x7FF] =	sst s2;
	s5 =	smul.u32 $0x1388, s5  }
0x5: {  	s3 =	sadd.s32 $0xBA00, s0;
	s6 =	sadd.s32 $0x1A00, s0;
	s7 =	sadd.s32 $0x6A00, s0  }
0x6: {  	s0 =	sadd.s32 $0x32C00, s0;
	s4 =	ssub.s32 $0x2, s4;
	s9 =	sshrl.u32 s5, $0x3  }
0x7: {  	_ =	strace $0x80000047;
	s8 =	sshrl.u32 s4, $0x1;
	s10 =	sadd.s32 s6, s9  }
0x8: {  	s4 =	ssub.s32 s4, s8;
	s12 =	sadd.s32 s1, s9;
	[dreg:$0x3] =	wrdreg s10  }
0x9: {  	s11 =	sadd.s32 $0x3E8, s5;
	s18 =	sadd.s32 s0, s9;
	[dreg:$0x5] =	wrdreg s12  }
0xa: {  	s8 =	sshrl.u32 s11, $0x3;
	s10 =	sadd.s32 s7, s9;
	[dreg:$0xb] =	wrdreg s18  }
0xb: {  	s13 =	sadd.s32 s6, s8;
	[dreg:$0x4] =	wrdreg s10  }
0xc: {  	s14 =	sadd.s32 s7, s8;
	[dreg:$0x6] =	wrdreg s13  }
0xd: {  	s15 =	sadd.s32 $0xFA, s9;
	s11 =	sadd.s32 s1, s8;
	[dreg:$0x7] =	wrdreg s14  }
0xe: {  	s16 =	sadd.s32 s6, s15;
	[dreg:$0x8] =	wrdreg s11  }
0xf: {  	s5 =	sadd.s32 $0xBB8, s5;
	s17 =	sadd.s32 s7, s15;
	[dreg:$0x9] =	wrdreg s16  }
0x10: {  	s5 =	sshrl.u32 s5, $0x3;
	s19 =	sadd.s32 s1, s15;
	[dreg:$0xa] =	wrdreg s17  }
0x11: {  	s20 =	sadd.s32 s6, s5;
	[dreg:$0xc] =	wrdreg s19  }
0x12: {  	s28 =	simm.s32 $0x3;
	s21 =	sadd.s32 s7, s5;
	[dreg:$0xd] =	wrdreg s20  }
0x13: {  	s29 =	simm.s32 $0x3E8;
	s8 =	sadd.s32 s0, s8;
	[dreg:$0xe] =	wrdreg s21  }
0x14: {  	s23 =	sadd.s32 $0x1F4, s9;
	s22 =	sadd.s32 s1, s5;
	[dreg:$0xf] =	wrdreg s8  }
0x15: {  	s30 =	simm.s32 $0xFA0;
	s6 =	sadd.s32 s6, s23;
	[dreg:$0x10] =	wrdreg s22  }
0x16: {  	s31 =	simm.s32 $0x8CA0;
	s24 =	sadd.s32 s7, s23;
	[dreg:$0x11] =	wrdreg s6  }
0x17: {  	s25 =	sadd.s32 s0, s15;
	s1 =	sadd.s32 s1, s23;
	[dreg:$0x12] =	wrdreg s24  }
0x18: {  	s26 =	sadd.s32 s0, s5;
	s0 =	sadd.s32 s0, s23;
	[dreg:$0x13] =	wrdreg s25  }
0x19: {  	s5 =	simm.s32 $0x5;
	s7 =	simm.s32 $0x9;
	[dreg:$0x14] =	wrdreg s1  }
0x1a: {  	v0 =	vlaneseq.u32;
	s9 =	simm.s32 $0x4;
	s12 =	simm.s32 $0x14820;
	[dreg:$0x15] =	wrdreg s26  }
0x1b: {  	v0 =	vmul.u32 $0x3E8, v0;
	s15 =	simm.s32 $0xA;
	s18 =	simm.s32 $0x0;
	[dreg:$0x16] =	wrdreg s0  }
0x1c: {  	v1 =	vimm.s32 $0x0;
	vm0 =	vcmask $0x300;
	s24 =	smax.u32 s4, $0x1;
	s25 =	simm.s32 $0x7D0;
	s26 =	simm.s32 $0x1  }
0x1d: {  	v1 =	vsel vm0, $0x3, v1;
	v2 =	vor.u32 $0x1, v0;
	s0 =	simm.s32 $0x27100;
	s1 =	simm.s32 $0x109A0;
	s4 =	simm.s32 $0xBB8  }
0x1e: {  	v3 =	vor.u32 $0x2, v0;
	v4 =	vor.u32 $0x3, v0;
	v5 =	vor.u32 $0x4, v0;
	s6 =	simm.s32 $0x7;
	s8 =	simm.s32 $0x2;
	s13 =	simm.s32 $0x6  }
0x1f: {  	v6 =	vor.u32 $0x5, v0;
	v7 =	vor.u32 $0x6, v0;
	v8 =	vor.u32 $0x7, v0;
	s14 =	simm.s32 $0x8;
	s16 =	simm.s32 $0xB;
	s17 =	simm.s32 $0xC  }
.LBB2_1:
0x20: {  	s10 =	rddreg [dreg:$0x3]  }
0x21: {  	[tilespmem:s2], [sflag:$0x1] =	stream.linear.gather [hbm4b:s10+s2], $0x3E8, $0x38;
	[tilespmem:$0x186A0] =	vst v63  }
0x22: {  	s21 =	rddreg [dreg:$0x4]  }
0x23: {  	[tilespmem:s25], [sflag:$0x3] =	stream.linear.gather [hbm4b:s21+s2], $0x3E8, $0x38;
	[tilespmem:$0x186A0] =	vst v63  }
0x24: {  	_ =	swait.ge [sflag:s26], $0x3E8  }
0x25: {  	[sflag:s26] =	ssyncset.done $0x0  }
0x26: {  	[sflag:s26] =	ssyncadd.s32 $0xFFFFFC18  }
0x27: {  	_ =	swait.ge [sflag:s28], $0x3E8  }
0x28: {  	[sflag:s28] =	ssyncset.done $0x0  }
0x29: {  	[sflag:s28] =	ssyncadd.s32 $0xFFFFFC18  }
0x2a: {  	[tilespmem:s30], [sflag:$0x5] =	stream.indirect.gather [hbm4b:s3+s29], $0x10, s2, s29, $0xb8;
	[tilespmem:$0x186A0] =	vst v63  }
0x2b: {  	_ = 	snop  }
0x2c: {  	[tilespmem:s31], [sflag:$0x7] =	stream.indirect.gather [hbm4b:s3+s29], $0x10, s25, s29, $0xb8;
	[tilespmem:$0x186A0] =	vst v63  }
0x2d: {  	s22 =	rddreg [dreg:$0x5]  }
0x2e: {  	[tilespmem:s1], [sflag:$0x9] =	stream.strided.gather [hbm4b:s22+s29], $0x3E80, s0, s29, $0x38;
	[tilespmem:$0x186A0] =	vst v63  }
0x2f: {  	s23 =	rddreg [dreg:$0x6]  }
0x30: {  	[tilespmem:s29], [sflag:$0x2] =	stream.linear.gather [hbm4b:s23+s2], $0x3E8, $0x38;
	[tilespmem:$0x186A0] =	vst v63  }
0x31: {  	s11 =	rddreg [dreg:$0x7]  }
0x32: {  	[tilespmem:s4], [sflag:$0x4] =	stream.linear.gather [hbm4b:s11+s2], $0x3E8, $0x38;
	[tilespmem:$0x186A0] =	vst v63  }
0x33: {  	_ =	swait.ge [sflag:s5], $0x3E80  }
0x34: {  	[sflag:s5] =	ssyncset.done $0x0  }
0x35: {  	[sflag:s5] =	ssyncadd.s32 $0xFFFFC180  }
0x36: {  	_ =	swait.ge [sflag:s6], $0x3E80  }
0x37: {  	[sflag:s6] =	ssyncset.done $0x0  }
0x38: {  	[sflag:s6] =	ssyncadd.s32 $0xFFFFC180  }
0x39: {  	_ =	swait.ge [sflag:s7], $0x3E80  }
0x3a: {  	[sflag:s7] =	ssyncset.done $0x0  }
0x3b: {  	[sflag:s7] =	ssyncadd.s32 $0xFFFFC180  }
0x3c: {  	_ =	swait.ge [sflag:s8], $0x3E8  }
0x3d: {  	[sflag:s8] =	ssyncset.done $0x0  }
0x3e: {  	[sflag:s8] =	ssyncadd.s32 $0xFFFFFC18  }
0x3f: {  	_ =	swait.ge [sflag:s9], $0x3E8  }
0x40: {  	[sflag:s9] =	ssyncset.done $0x0  }
0x41: {  	s19 =	simm.s32 $0x4E20;
	[sflag:s9] =	ssyncadd.s32 $0xFFFFFC18  }
0x42: {  	[tilespmem:s19], [sflag:$0x6] =	stream.indirect.gather [hbm4b:s3+s29], $0x10, s29, s29, $0xb8;
	[tilespmem:$0x186A0] =	vst v63  }
0x43: {  	s20 =	simm.s32 $0xCB20  }
0x44: {  	[tilespmem:s20], [sflag:$0x8] =	stream.indirect.gather [hbm4b:s3+s29], $0x10, s4, s29, $0xb8;
	[tilespmem:$0x186A0] =	vst v63  }
0x45: {  	s21 =	rddreg [dreg:$0x8]  }
0x46: {  	[tilespmem:s12], [sflag:$0xA] =	stream.strided.gather [hbm4b:s21+s29], $0x3E80, s0, s29, $0x38;
	[tilespmem:$0x186A0] =	vst v63  }
0x47: {  	s22 =	rddreg [dreg:$0x9]  }
0x48: {  	[tilespmem:s2], [sflag:$0x1] =	stream.linear.gather [hbm4b:s22+s2], $0x3E8, $0x38;
	[tilespmem:$0x186A0] =	vst v63  }
0x49: {  	s23 =	simm.s32 $0x7;
	s11 =	rddreg [dreg:$0xa];
	s20 =	simm.s32 $0xFE0  }
0x4a: {  	v9 =	vmov s23;
	[tilespmem:s25], [sflag:$0x3] =	stream.linear.gather [hbm4b:s11+s2], $0x3E8, $0x38;
	[tilespmem:$0x186A0] =	vst v63  }
0x4b: {  	v9 =	vshrl.u32 v9, $0x3;
	s19 =	simm.s32 $0x8CE0;
	v10 =	vld [tilespmem:s20+$0x30]  }
0x4c: {  	v9 =	vshll.u32 v9, v1;
	v11 =	vld [tilespmem:s19+$0x30]  }
0x4d: {  	v9 =	vbroadcast v9, $0x0;
	v12 =	vld [tilespmem:s19+$0xFFFFFFC0]  }
0x4e: {  	v13 =	vld [tilespmem:s20+$0xFFFFFFD0]  }
0x4f: {  	v9 =	vadd.s32 v8, v9;
	v14 =	vld [tilespmem:s19+$0xFFFFFFD0]  }
0x50: {  	v15 =	vmov s2;
	s23 =	simm.s32 $0x6;
	s11 =	simm.s32 $0x1;
	v16 =	vld [tilespmem:s20+$0xFFFFFFE0]  }
0x51: {  	v26 =	vmov s23;
	v17 =	vld [tilespmem:s19+$0xFFFFFFE0];
	v10 =	vadd.f32 v11, v10;
	v11 =	vmov s11  }
0x52: {  	v15 =	vshrl.u32 v15, $0x3;
	v26 =	vshrl.u32 v26, $0x3;
	s21 =	simm.s32 $0x2;
	s22 =	simm.s32 $0x3;
	v20 =	vld [tilespmem:s20+$0xFFFFFFF0];
	v11 =	vshrl.u32 v11, $0x3  }
0x53: {  	v18 =	vmov s21;
	s21 =	simm.s32 $0x4;
	v19 =	vmov s22;
	v56 =	vld [tilespmem:s19+$0xFFFFFFF0];
	v11 =	vshll.u32 v11, v1  }
0x54: {  	v21 =	vmov s21;
	s22 =	simm.s32 $0x5;
	[tilespmem:v9+s1+$0x0] =	vst.idx.add.f32.msk $0xffff, v10;
	v10 =	vshrl.u32 v19, $0x3;
	v11 =	vbroadcast v11, $0x0  }
0x55: {  	v22 =	vmov s22;
	v58 =	vld [tilespmem:s20+$0x0];
	v9 =	vshrl.u32 v18, $0x3;
	v10 =	vshll.u32 v10, v1  }
0x56: {  	v23 =	vld [tilespmem:s19+$0x0];
	v9 =	vshll.u32 v9, v1;
	v10 =	vbroadcast v10, $0x0;
	v11 =	vadd.s32 v2, v11  }
0x57: {  	v57 =	vshrl.u32 v21, $0x3;
	v22 =	vshrl.u32 v22, $0x3;
	v24 =	vld [tilespmem:s20+$0x10];
	v9 =	vbroadcast v9, $0x0  }
0x58: {  	v25 =	vld [tilespmem:s19+$0x10];
	v22 =	vshll.u32 v22, v1;
	v13 =	vadd.f32 v14, v13;
	v10 =	vadd.s32 v4, v10  }
0x59: {  	v59 =	vld [tilespmem:s20+$0x20];
	v14 =	vbroadcast v22, $0x0;
	v19 =	vshll.u32 v57, v1;
	v9 =	vadd.s32 v3, v9  }
0x5a: {  	v15 =	vshll.u32 v15, v1;
	v26 =	vshll.u32 v26, v1;
	v61 =	vld [tilespmem:s19+$0x20];
	v19 =	vbroadcast v19, $0x0  }
0x5b: {  	v18 =	vadd.f32 v56, v20;
	v14 =	vadd.s32 v6, v14;
	[tilespmem:v11+s1+$0x0] =	vst.idx.add.f32.msk $0xffff, v13;
	v11 =	vbroadcast v26, $0x0  }
0x5c: {  	v62 =	vld [tilespmem:s20+$0xFFFFFFC0];
	v16 =	vadd.f32 v17, v16;
	v60 =	vadd.s32 v5, v19;
	v13 =	vbroadcast v15, $0x0  }
0x5d: {  	[tilespmem:v10+s1+$0x0] =	vst.idx.add.f32.msk $0xffff, v18;
	v10 =	vadd.s32 v7, v11  }
0x5e: {  	v63 =	vadd.f32 v25, v24;
	[tilespmem:v9+s1+$0x0] =	vst.idx.add.f32.msk $0xffff, v16;
	v9 =	vadd.s32 v0, v13  }
0x5f: {  	v15 =	vadd.f32 v23, v58  }
0x60: {  	[tilespmem:v14+s1+$0x0] =	vst.idx.add.f32.msk $0xffff, v63;
	v11 =	vadd.f32 v61, v59  }
0x61: {  	s10 =	simm.s32 $0x10;
	s21 =	simm.s32 $0x8;
	s22 =	simm.s32 $0xF;
	v12 =	vadd.f32 v12, v62;
	[tilespmem:v60+s1+$0x0] =	vst.idx.add.f32.msk $0xffff, v15  }
.LBB2_2:
0x62: {  	p0 =	slt.u32 s10, $0x3E0;
	v13 =	vmov s22;
	[tilespmem:v10+s1+$0x0] =	vst.idx.add.f32.msk $0xffff, v11  }
0x63: {  	s20 =	sadd.s32 $0x80, s20;
	v10 =	vshrl.u32 v13, $0x3;
	[tilespmem:v9+s1+$0x0] =	vst.idx.add.f32.msk $0xffff, v12  }
0x64: {  	s19 =	sadd.s32 $0x80, s19;
	v9 =	vld [tilespmem:s20+$0x30];
	v10 =	vshll.u32 v10, v1  }
0x65: {  	v11 =	vld [tilespmem:s19+$0x30];
	v10 =	vbroadcast v10, $0x0  }
0x66: {  	v12 =	vld [tilespmem:s19+$0xFFFFFFC0]  }
0x67: {  	v13 =	vmov s21;
	v14 =	vld [tilespmem:s20+$0xFFFFFFD0];
	v10 =	vadd.s32 v8, v10  }
0x68: {  	s22 =	sadd.s32 $0x1, s21;
	s11 =	sadd.s32 $0x2, s21;
	s23 =	sadd.s32 $0x3, s21;
	v13 =	vshrl.u32 v13, $0x3;
	v15 =	vld [tilespmem:s19+$0xFFFFFFD0]  }
0x69: {  	v16 =	vmov s22;
	v18 =	vmov s11;
	v19 =	vmov s23;
	s11 =	sadd.s32 $0x4, s21;
	s22 =	sadd.s32 $0x5, s21;
	v17 =	vld [tilespmem:s20+$0xFFFFFFE0]  }
0x6a: {  	v21 =	vmov s11;
	v22 =	vmov s22;
	s11 =	sadd.s32 $0x6, s21;
	s21 =	smov.u32 s10;
	v20 =	vld [tilespmem:s19+$0xFFFFFFE0];
	v9 =	vadd.f32 v11, v9  }
0x6b: {  	v23 =	vmov s11;
	v11 =	vshrl.u32 v16, $0x3;
	v16 =	vshrl.u32 v18, $0x3;
	v18 =	vld [tilespmem:s20+$0xFFFFFFF0]  }
0x6c: {  	v19 =	vshrl.u32 v19, $0x3;
	v21 =	vshrl.u32 v21, $0x3;
	v22 =	vshrl.u32 v22, $0x3;
	[tilespmem:v10+s1+$0x0] =	vst.idx.add.f32.msk $0xffff, v9  }
0x6d: {  	v10 =	vshll.u32 v11, v1;
	v9 =	vadd.f32 v15, v14;
	v11 =	vld [tilespmem:s19+$0xFFFFFFF0];
	v14 =	vshrl.u32 v23, $0x3  }
0x6e: {  	v10 =	vbroadcast v10, $0x0;
	v15 =	vshll.u32 v16, v1;
	v16 =	vshll.u32 v19, v1;
	v19 =	vld [tilespmem:s20+$0x0]  }
0x6f: {  	v21 =	vshll.u32 v21, v1;
	v15 =	vbroadcast v15, $0x0;
	v17 =	vadd.f32 v20, v17;
	v20 =	vld [tilespmem:s19+$0x0]  }
0x70: {  	v22 =	vshll.u32 v22, v1;
	v16 =	vbroadcast v16, $0x0;
	v10 =	vadd.s32 v2, v10;
	v23 =	vld [tilespmem:s20+$0x10]  }
0x71: {  	v21 =	vbroadcast v21, $0x0;
	v14 =	vshll.u32 v14, v1;
	v15 =	vadd.s32 v3, v15;
	v24 =	vld [tilespmem:s19+$0x10]  }
0x72: {  	v16 =	vadd.s32 v4, v16;
	v11 =	vadd.f32 v11, v18;
	v18 =	vbroadcast v22, $0x0;
	v22 =	vld [tilespmem:s20+$0x20]  }
0x73: {  	v13 =	vshll.u32 v13, v1;
	v21 =	vadd.s32 v5, v21;
	v14 =	vbroadcast v14, $0x0;
	v25 =	vld [tilespmem:s19+$0x20]  }
0x74: {  	v13 =	vbroadcast v13, $0x0;
	v26 =	vld [tilespmem:s20+$0xFFFFFFC0];
	v19 =	vadd.f32 v20, v19;
	v18 =	vadd.s32 v6, v18  }
.Ltmp0:
0x75: {  	[tilespmem:v10+s1+$0x0] =	vst.idx.add.f32.msk $0xffff, v9;
	v10 =	vadd.s32 v7, v14;
	(pc) =	sbr.rel @p0 .LBB2_2-.Ltmp0, $4  }
0x76: {  	v9 =	vadd.s32 v0, v13;
	[tilespmem:v15+s1+$0x0] =	vst.idx.add.f32.msk $0xffff, v17;
	v13 =	vadd.f32 v24, v23  }
0x77: {  	[tilespmem:v16+s1+$0x0] =	vst.idx.add.f32.msk $0xffff, v11  }
0x78: {  	[tilespmem:v21+s1+$0x0] =	vst.idx.add.f32.msk $0xffff, v19;
	v11 =	vadd.f32 v25, v22  }
0x79: {  	s10 =	sadd.s32 $0x8, s10;
	s22 =	sadd.s32 $0x7, s21;
	v12 =	vadd.f32 v12, v26;
	[tilespmem:v18+s1+$0x0] =	vst.idx.add.f32.msk $0xffff, v13  }
0x7a: {  	_ =	sdelay $0x3  }
0x7b: {  	[tilespmem:v10+s1+$0x0] =	vst.idx.add.f32.msk $0xffff, v11  }
0x7c: {  	s10 =	sadd.s32 $0x80, s20;
	[tilespmem:v9+s1+$0x0] =	vst.idx.add.f32.msk $0xffff, v12  }
0x7d: {  	v13 =	vmov s22;
	s11 =	sadd.s32 $0x80, s19;
	v9 =	vld [tilespmem:s10+$0x30]  }
0x7e: {  	v10 =	vshrl.u32 v13, $0x3;
	v11 =	vld [tilespmem:s11+$0x30]  }
0x7f: {  	v12 =	vld [tilespmem:s11+$0xFFFFFFC0];
	v10 =	vshll.u32 v10, v1  }
0x80: {  	v14 =	vmov s21;
	v13 =	vld [tilespmem:s10+$0xFFFFFFD0];
	v10 =	vbroadcast v10, $0x0  }
0x81: {  	s20 =	sadd.s32 $0x1, s21;
	s22 =	sadd.s32 $0x2, s21;
	v15 =	vld [tilespmem:s11+$0xFFFFFFD0];
	v14 =	vshrl.u32 v14, $0x3  }
0x82: {  	s23 =	sadd.s32 $0x3, s21;
	v16 =	vmov s20;
	v17 =	vld [tilespmem:s10+$0xFFFFFFE0];
	v18 =	vmov s22;
	s22 =	sadd.s32 $0x5, s21;
	v10 =	vadd.s32 v8, v10  }
0x83: {  	v19 =	vmov s23;
	v20 =	vld [tilespmem:s11+$0xFFFFFFE0];
	s23 =	sadd.s32 $0x6, s21;
	v21 =	vmov s22;
	v16 =	vshrl.u32 v16, $0x3  }
0x84: {  	v22 =	vld [tilespmem:s10+$0xFFFFFFF0];
	v18 =	vshrl.u32 v18, $0x3;
	v23 =	vmov s23;
	v19 =	vshrl.u32 v19, $0x3  }
0x85: {  	s20 =	sadd.s32 $0x4, s21;
	v40 =	vld [tilespmem:s11+$0xFFFFFFF0];
	v14 =	vshll.u32 v14, v1;
	v42 =	vshrl.u32 v23, $0x3;
	v9 =	vadd.f32 v11, v9  }
0x86: {  	v44 =	vld [tilespmem:s10+$0xFFFFFFC0];
	v19 =	vshll.u32 v19, v1;
	v14 =	vbroadcast v14, $0x0;
	v11 =	vmov s20  }
0x87: {  	v19 =	vbroadcast v19, $0x0;
	[tilespmem:v10+s1+$0x0] =	vst.idx.add.f32.msk $0xffff, v9;
	v9 =	vshrl.u32 v11, $0x3;
	v11 =	vshll.u32 v16, v1  }
0x88: {  	v41 =	vld [tilespmem:s10+$0x0];
	v13 =	vadd.f32 v15, v13;
	v15 =	vshll.u32 v18, v1;
	v11 =	vbroadcast v11, $0x0  }
0x89: {  	v43 =	vld [tilespmem:s11+$0x0];
	v14 =	vadd.s32 v0, v14;
	v19 =	vadd.s32 v4, v19;
	v15 =	vbroadcast v15, $0x0  }
0x8a: {  	v24 =	vld [tilespmem:s10+$0x10];
	v10 =	vshrl.u32 v21, $0x3;
	v9 =	vshll.u32 v9, v1;
	v11 =	vadd.s32 v2, v11  }
0x8b: {  	v25 =	vld [tilespmem:s11+$0x10];
	v12 =	vadd.f32 v12, v44;
	v10 =	vshll.u32 v10, v1;
	v9 =	vbroadcast v9, $0x0  }
0x8c: {  	v26 =	vld [tilespmem:s10+$0x20];
	v15 =	vadd.s32 v3, v15;
	v21 =	vshll.u32 v42, v1;
	v10 =	vbroadcast v10, $0x0  }
0x8d: {  	v27 =	vld [tilespmem:s11+$0x20];
	v21 =	vbroadcast v21, $0x0;
	v9 =	vadd.s32 v5, v9  }
0x8e: {  	v16 =	vadd.f32 v40, v22;
	[tilespmem:v14+s1+$0x0] =	vst.idx.add.f32.msk $0xffff, v12;
	v10 =	vadd.s32 v6, v10  }
0x8f: {  	v17 =	vadd.f32 v20, v17;
	[tilespmem:v11+s1+$0x0] =	vst.idx.add.f32.msk $0xffff, v13;
	v11 =	vadd.s32 v7, v21  }
0x90: {  	[tilespmem:v19+s1+$0x0] =	vst.idx.add.f32.msk $0xffff, v16;
	v13 =	vadd.f32 v43, v41  }
0x91: {  	[tilespmem:v15+s1+$0x0] =	vst.idx.add.f32.msk $0xffff, v17;
	v15 =	vadd.f32 v25, v24  }
0x92: {  	[tilespmem:v9+s1+$0x0] =	vst.idx.add.f32.msk $0xffff, v13;
	v9 =	vadd.f32 v27, v26  }
0x93: {  	[tilespmem:v10+s1+$0x0] =	vst.idx.add.f32.msk $0xffff, v15  }
0x94: {  	[tilespmem:v11+s1+$0x0] =	vst.idx.add.f32.msk $0xffff, v9  }
0x95: {  	s20 =	rddreg [dreg:$0xb]  }
0x96: {  	[hbm4b:s20+s29] =	stream.strided.scatter [tilespmem:s1], [sflag:$0xB], $0x3E80, s0, s29, $0x38;
	[tilespmem:$0x186A0] =	vst v63  }
0x97: {  	_ =	swait.ge [sflag:s13], $0x3E80  }
0x98: {  	[sflag:s13] =	ssyncset.done $0x0  }
0x99: {  	[sflag:s13] =	ssyncadd.s32 $0xFFFFC180  }
0x9a: {  	_ =	swait.ge [sflag:s14], $0x3E80  }
0x9b: {  	[sflag:s14] =	ssyncset.done $0x0  }
0x9c: {  	[sflag:s14] =	ssyncadd.s32 $0xFFFFC180  }
0x9d: {  	_ =	swait.ge [sflag:s15], $0x3E80  }
0x9e: {  	[sflag:s15] =	ssyncset.done $0x0  }
0x9f: {  	[sflag:s15] =	ssyncadd.s32 $0xFFFFC180  }
0xa0: {  	_ =	swait.ge [sflag:s26], $0x3E8  }
0xa1: {  	[sflag:s26] =	ssyncset.done $0x0  }
0xa2: {  	[sflag:s26] =	ssyncadd.s32 $0xFFFFFC18  }
0xa3: {  	_ =	swait.ge [sflag:s28], $0x3E8  }
0xa4: {  	[sflag:s28] =	ssyncset.done $0x0  }
0xa5: {  	[sflag:s28] =	ssyncadd.s32 $0xFFFFFC18  }
0xa6: {  	_ =	swait.ge [sflag:s16], $0x3E80  }
0xa7: {  	[sflag:s16] =	ssyncset.done $0x0  }
0xa8: {  	s10 =	simm.s32 $0x0;
	[sflag:s16] =	ssyncadd.s32 $0xFFFFC180  }
0xa9: {  	[tilespmem:s30], [sflag:$0x5] =	stream.indirect.gather [hbm4b:s3+s29], $0x10, s10, s29, $0xb8;
	[tilespmem:$0x186A0] =	vst v63  }
0xaa: {  	_ = 	snop  }
0xab: {  	[tilespmem:s31], [sflag:$0x7] =	stream.indirect.gather [hbm4b:s3+s29], $0x10, s25, s29, $0xb8;
	[tilespmem:$0x186A0] =	vst v63  }
0xac: {  	s21 =	rddreg [dreg:$0xc]  }
0xad: {  	[tilespmem:s1], [sflag:$0x9] =	stream.strided.gather [hbm4b:s21+s29], $0x3E80, s0, s29, $0x38;
	[tilespmem:$0x186A0] =	vst v63  }
0xae: {  	s22 =	rddreg [dreg:$0xd]  }
0xaf: {  	[tilespmem:s29], [sflag:$0x2] =	stream.linear.gather [hbm4b:s22+s10], $0x3E8, $0x38;
	[tilespmem:$0x186A0] =	vst v63  }
0xb0: {  	s23 =	simm.s32 $0x7;
	s20 =	rddreg [dreg:$0xe]  }
0xb1: {  	[tilespmem:s4], [sflag:$0x4] =	stream.linear.gather [hbm4b:s20+s10], $0x3E8, $0x38;
	[tilespmem:$0x186A0] =	vst v63  }
0xb2: {  	v9 =	vmov s23;
	s20 =	simm.s32 $0x4E60  }
0xb3: {  	s19 =	simm.s32 $0xCB60;
	v9 =	vshrl.u32 v9, $0x3;
	v10 =	vld [tilespmem:s20+$0x30]  }
0xb4: {  	v9 =	vshll.u32 v9, v1;
	v11 =	vld [tilespmem:s19+$0x30]  }
0xb5: {  	v9 =	vbroadcast v9, $0x0;
	v12 =	vld [tilespmem:s19+$0xFFFFFFC0]  }
0xb6: {  	v13 =	vld [tilespmem:s20+$0xFFFFFFD0]  }
0xb7: {  	v9 =	vadd.s32 v8, v9;
	v14 =	vld [tilespmem:s19+$0xFFFFFFD0]  }
0xb8: {  	v15 =	vmov s10;
	s23 =	simm.s32 $0x3;
	s21 =	simm.s32 $0x1;
	v45 =	vld [tilespmem:s20+$0xFFFFFFE0]  }
0xb9: {  	v48 =	vmov s23;
	s23 =	simm.s32 $0x6;
	v46 =	vld [tilespmem:s19+$0xFFFFFFE0];
	v10 =	vadd.f32 v11, v10;
	v11 =	vmov s21  }
0xba: {  	v15 =	vshrl.u32 v15, $0x3;
	v59 =	vmov s23;
	s22 =	simm.s32 $0x2;
	v49 =	vld [tilespmem:s20+$0xFFFFFFF0];
	v11 =	vshrl.u32 v11, $0x3  }
0xbb: {  	v26 =	vshrl.u32 v59, $0x3;
	v47 =	vmov s22;
	s22 =	simm.s32 $0x5;
	v52 =	vld [tilespmem:s19+$0xFFFFFFF0];
	v11 =	vshll.u32 v11, v1  }
0xbc: {  	v51 =	vmov s22;
	[tilespmem:v9+s12+$0x0] =	vst.idx.add.f32.msk $0xffff, v10;
	v10 =	vshrl.u32 v48, $0x3;
	v11 =	vbroadcast v11, $0x0  }
0xbd: {  	v54 =	vld [tilespmem:s20+$0x0];
	v22 =	vshrl.u32 v51, $0x3;
	v9 =	vshrl.u32 v47, $0x3;
	v10 =	vshll.u32 v10, v1  }
0xbe: {  	v55 =	vld [tilespmem:s19+$0x0];
	s21 =	simm.s32 $0x4;
	v9 =	vshll.u32 v9, v1;
	v10 =	vbroadcast v10, $0x0;
	v11 =	vadd.s32 v2, v11  }
0xbf: {  	v56 =	vld [tilespmem:s20+$0x10];
	v22 =	vshll.u32 v22, v1;
	v50 =	vmov s21;
	v9 =	vbroadcast v9, $0x0  }
0xc0: {  	v57 =	vld [tilespmem:s19+$0x10];
	v13 =	vadd.f32 v14, v13;
	v53 =	vshrl.u32 v50, $0x3;
	v10 =	vadd.s32 v4, v10  }
0xc1: {  	v58 =	vld [tilespmem:s20+$0x20];
	v14 =	vbroadcast v22, $0x0;
	v19 =	vshll.u32 v53, v1;
	v9 =	vadd.s32 v3, v9  }
0xc2: {  	v15 =	vshll.u32 v15, v1;
	v26 =	vshll.u32 v26, v1;
	v61 =	vld [tilespmem:s19+$0x20];
	v19 =	vbroadcast v19, $0x0  }
0xc3: {  	v18 =	vadd.f32 v52, v49;
	v14 =	vadd.s32 v6, v14;
	[tilespmem:v11+s12+$0x0] =	vst.idx.add.f32.msk $0xffff, v13;
	v11 =	vbroadcast v26, $0x0  }
0xc4: {  	v62 =	vld [tilespmem:s20+$0xFFFFFFC0];
	v16 =	vadd.f32 v46, v45;
	v60 =	vadd.s32 v5, v19;
	v13 =	vbroadcast v15, $0x0  }
0xc5: {  	[tilespmem:v10+s12+$0x0] =	vst.idx.add.f32.msk $0xffff, v18;
	v10 =	vadd.s32 v7, v11  }
0xc6: {  	v63 =	vadd.f32 v57, v56;
	[tilespmem:v9+s12+$0x0] =	vst.idx.add.f32.msk $0xffff, v16;
	v9 =	vadd.s32 v0, v13  }
0xc7: {  	v15 =	vadd.f32 v55, v54  }
0xc8: {  	[tilespmem:v14+s12+$0x0] =	vst.idx.add.f32.msk $0xffff, v63;
	v11 =	vadd.f32 v61, v58  }
0xc9: {  	s22 =	simm.s32 $0xF;
	s10 =	simm.s32 $0x10;
	v12 =	vadd.f32 v12, v62;
	s21 =	simm.s32 $0x8;
	[tilespmem:v60+s12+$0x0] =	vst.idx.add.f32.msk $0xffff, v15  }
.LBB2_4:
0xca: {  	p0 =	slt.u32 s10, $0x3E0;
	v13 =	vmov s22;
	[tilespmem:v10+s12+$0x0] =	vst.idx.add.f32.msk $0xffff, v11  }
0xcb: {  	s20 =	sadd.s32 $0x80, s20;
	v10 =	vshrl.u32 v13, $0x3;
	[tilespmem:v9+s12+$0x0] =	vst.idx.add.f32.msk $0xffff, v12  }
0xcc: {  	s19 =	sadd.s32 $0x80, s19;
	v9 =	vld [tilespmem:s20+$0x30];
	v10 =	vshll.u32 v10, v1  }
0xcd: {  	v11 =	vld [tilespmem:s19+$0x30];
	v10 =	vbroadcast v10, $0x0  }
0xce: {  	v12 =	vld [tilespmem:s19+$0xFFFFFFC0]  }
0xcf: {  	v13 =	vmov s21;
	v14 =	vld [tilespmem:s20+$0xFFFFFFD0];
	v10 =	vadd.s32 v8, v10  }
0xd0: {  	s11 =	sadd.s32 $0x1, s21;
	s22 =	sadd.s32 $0x2, s21;
	s23 =	sadd.s32 $0x3, s21;
	v13 =	vshrl.u32 v13, $0x3;
	v15 =	vld [tilespmem:s19+$0xFFFFFFD0]  }
0xd1: {  	v16 =	vmov s11;
	v18 =	vmov s22;
	v19 =	vmov s23;
	s11 =	sadd.s32 $0x4, s21;
	s22 =	sadd.s32 $0x5, s21;
	v17 =	vld [tilespmem:s20+$0xFFFFFFE0]  }
0xd2: {  	v21 =	vmov s11;
	v22 =	vmov s22;
	s11 =	sadd.s32 $0x6, s21;
	s21 =	smov.u32 s10;
	v20 =	vld [tilespmem:s19+$0xFFFFFFE0];
	v9 =	vadd.f32 v11, v9  }
0xd3: {  	v23 =	vmov s11;
	v11 =	vshrl.u32 v16, $0x3;
	v16 =	vshrl.u32 v18, $0x3;
	v18 =	vld [tilespmem:s20+$0xFFFFFFF0]  }
0xd4: {  	v19 =	vshrl.u32 v19, $0x3;
	v21 =	vshrl.u32 v21, $0x3;
	v22 =	vshrl.u32 v22, $0x3;
	[tilespmem:v10+s12+$0x0] =	vst.idx.add.f32.msk $0xffff, v9  }
0xd5: {  	v10 =	vshll.u32 v11, v1;
	v9 =	vadd.f32 v15, v14;
	v11 =	vld [tilespmem:s19+$0xFFFFFFF0];
	v14 =	vshrl.u32 v23, $0x3  }
0xd6: {  	v10 =	vbroadcast v10, $0x0;
	v15 =	vshll.u32 v16, v1;
	v16 =	vshll.u32 v19, v1;
	v19 =	vld [tilespmem:s20+$0x0]  }
0xd7: {  	v21 =	vshll.u32 v21, v1;
	v15 =	vbroadcast v15, $0x0;
	v17 =	vadd.f32 v20, v17;
	v20 =	vld [tilespmem:s19+$0x0]  }
0xd8: {  	v22 =	vshll.u32 v22, v1;
	v16 =	vbroadcast v16, $0x0;
	v10 =	vadd.s32 v2, v10;
	v23 =	vld [tilespmem:s20+$0x10]  }
0xd9: {  	v21 =	vbroadcast v21, $0x0;
	v14 =	vshll.u32 v14, v1;
	v15 =	vadd.s32 v3, v15;
	v24 =	vld [tilespmem:s19+$0x10]  }
0xda: {  	v16 =	vadd.s32 v4, v16;
	v11 =	vadd.f32 v11, v18;
	v18 =	vbroadcast v22, $0x0;
	v22 =	vld [tilespmem:s20+$0x20]  }
0xdb: {  	v13 =	vshll.u32 v13, v1;
	v21 =	vadd.s32 v5, v21;
	v14 =	vbroadcast v14, $0x0;
	v25 =	vld [tilespmem:s19+$0x20]  }
0xdc: {  	v13 =	vbroadcast v13, $0x0;
	v26 =	vld [tilespmem:s20+$0xFFFFFFC0];
	v19 =	vadd.f32 v20, v19;
	v18 =	vadd.s32 v6, v18  }
.Ltmp1:
0xdd: {  	[tilespmem:v10+s12+$0x0] =	vst.idx.add.f32.msk $0xffff, v9;
	v10 =	vadd.s32 v7, v14;
	(pc) =	sbr.rel @p0 .LBB2_4-.Ltmp1, $4  }
0xde: {  	v9 =	vadd.s32 v0, v13;
	[tilespmem:v15+s12+$0x0] =	vst.idx.add.f32.msk $0xffff, v17;
	v13 =	vadd.f32 v24, v23  }
0xdf: {  	[tilespmem:v16+s12+$0x0] =	vst.idx.add.f32.msk $0xffff, v11  }
0xe0: {  	[tilespmem:v21+s12+$0x0] =	vst.idx.add.f32.msk $0xffff, v19;
	v11 =	vadd.f32 v25, v22  }
0xe1: {  	s10 =	sadd.s32 $0x8, s10;
	s22 =	sadd.s32 $0x7, s21;
	v12 =	vadd.f32 v12, v26;
	[tilespmem:v18+s12+$0x0] =	vst.idx.add.f32.msk $0xffff, v13  }
0xe2: {  	_ =	sdelay $0x3  }
0xe3: {  	[tilespmem:v10+s12+$0x0] =	vst.idx.add.f32.msk $0xffff, v11  }
0xe4: {  	s10 =	sadd.s32 $0x80, s20;
	[tilespmem:v9+s12+$0x0] =	vst.idx.add.f32.msk $0xffff, v12  }
0xe5: {  	v13 =	vmov s22;
	s11 =	sadd.s32 $0x80, s19;
	v9 =	vld [tilespmem:s10+$0x30]  }
0xe6: {  	v10 =	vshrl.u32 v13, $0x3;
	v11 =	vld [tilespmem:s11+$0x30]  }
0xe7: {  	v12 =	vld [tilespmem:s11+$0xFFFFFFC0];
	v10 =	vshll.u32 v10, v1  }
0xe8: {  	v14 =	vmov s21;
	v13 =	vld [tilespmem:s10+$0xFFFFFFD0];
	v10 =	vbroadcast v10, $0x0  }
0xe9: {  	s20 =	sadd.s32 $0x1, s21;
	s23 =	sadd.s32 $0x3, s21;
	v15 =	vld [tilespmem:s11+$0xFFFFFFD0];
	v14 =	vshrl.u32 v14, $0x3  }
0xea: {  	s22 =	sadd.s32 $0x2, s21;
	v16 =	vmov s20;
	v17 =	vld [tilespmem:s10+$0xFFFFFFE0];
	v19 =	vmov s23;
	s23 =	sadd.s32 $0x5, s21;
	v10 =	vadd.s32 v8, v10  }
0xeb: {  	v18 =	vmov s22;
	v20 =	vld [tilespmem:s11+$0xFFFFFFE0];
	v21 =	vmov s23;
	v14 =	vshll.u32 v14, v1  }
0xec: {  	v44 =	vld [tilespmem:s10+$0xFFFFFFC0];
	v16 =	vshrl.u32 v16, $0x3;
	v19 =	vshrl.u32 v19, $0x3;
	v14 =	vbroadcast v14, $0x0  }
0xed: {  	s22 =	sadd.s32 $0x4, s21;
	v22 =	vld [tilespmem:s10+$0xFFFFFFF0];
	v18 =	vshrl.u32 v18, $0x3;
	v19 =	vshll.u32 v19, v1;
	v9 =	vadd.f32 v11, v9  }
0xee: {  	v40 =	vld [tilespmem:s11+$0xFFFFFFF0];
	v19 =	vbroadcast v19, $0x0;
	v14 =	vadd.s32 v0, v14;
	v11 =	vmov s22  }
0xef: {  	v13 =	vadd.f32 v15, v13;
	[tilespmem:v10+s12+$0x0] =	vst.idx.add.f32.msk $0xffff, v9;
	v9 =	vshrl.u32 v11, $0x3;
	v11 =	vshll.u32 v16, v1  }
0xf0: {  	v41 =	vld [tilespmem:s10+$0x0];
	s22 =	sadd.s32 $0x6, s21;
	v15 =	vshll.u32 v18, v1;
	v19 =	vadd.s32 v4, v19;
	v11 =	vbroadcast v11, $0x0  }
0xf1: {  	v43 =	vld [tilespmem:s11+$0x0];
	v12 =	vadd.f32 v12, v44;
	v23 =	vmov s22;
	v15 =	vbroadcast v15, $0x0  }
0xf2: {  	v24 =	vld [tilespmem:s10+$0x10];
	v10 =	vshrl.u32 v21, $0x3;
	v9 =	vshll.u32 v9, v1;
	v11 =	vadd.s32 v2, v11  }
0xf3: {  	v25 =	vld [tilespmem:s11+$0x10];
	v42 =	vshrl.u32 v23, $0x3;
	v10 =	vshll.u32 v10, v1;
	v9 =	vbroadcast v9, $0x0  }
0xf4: {  	v26 =	vld [tilespmem:s10+$0x20];
	v15 =	vadd.s32 v3, v15;
	v21 =	vshll.u32 v42, v1;
	v10 =	vbroadcast v10, $0x0  }
0xf5: {  	v27 =	vld [tilespmem:s11+$0x20];
	v21 =	vbroadcast v21, $0x0;
	v9 =	vadd.s32 v5, v9  }
0xf6: {  	v16 =	vadd.f32 v40, v22;
	[tilespmem:v14+s12+$0x0] =	vst.idx.add.f32.msk $0xffff, v12;
	v10 =	vadd.s32 v6, v10  }
0xf7: {  	v17 =	vadd.f32 v20, v17;
	[tilespmem:v11+s12+$0x0] =	vst.idx.add.f32.msk $0xffff, v13;
	v11 =	vadd.s32 v7, v21  }
0xf8: {  	[tilespmem:v19+s12+$0x0] =	vst.idx.add.f32.msk $0xffff, v16;
	v13 =	vadd.f32 v43, v41  }
0xf9: {  	[tilespmem:v15+s12+$0x0] =	vst.idx.add.f32.msk $0xffff, v17;
	v15 =	vadd.f32 v25, v24  }
0xfa: {  	[tilespmem:v9+s12+$0x0] =	vst.idx.add.f32.msk $0xffff, v13;
	v9 =	vadd.f32 v27, v26  }
0xfb: {  	[tilespmem:v10+s12+$0x0] =	vst.idx.add.f32.msk $0xffff, v15  }
0xfc: {  	[tilespmem:v11+s12+$0x0] =	vst.idx.add.f32.msk $0xffff, v9  }
0xfd: {  	s23 =	rddreg [dreg:$0xf]  }
0xfe: {  	[hbm4b:s23+s29] =	stream.strided.scatter [tilespmem:s12], [sflag:$0xC], $0x3E80, s0, s29, $0x38;
	[tilespmem:$0x186A0] =	vst v63  }
0xff: {  	_ =	swait.ge [sflag:s5], $0x3E80  }
0x100: {  	[sflag:s5] =	ssyncset.done $0x0  }
0x101: {  	[sflag:s5] =	ssyncadd.s32 $0xFFFFC180  }
0x102: {  	_ =	swait.ge [sflag:s6], $0x3E80  }
0x103: {  	[sflag:s6] =	ssyncset.done $0x0  }
0x104: {  	[sflag:s6] =	ssyncadd.s32 $0xFFFFC180  }
0x105: {  	_ =	swait.ge [sflag:s7], $0x3E80  }
0x106: {  	[sflag:s7] =	ssyncset.done $0x0  }
0x107: {  	[sflag:s7] =	ssyncadd.s32 $0xFFFFC180  }
0x108: {  	_ =	swait.ge [sflag:s8], $0x3E8  }
0x109: {  	[sflag:s8] =	ssyncset.done $0x0  }
0x10a: {  	[sflag:s8] =	ssyncadd.s32 $0xFFFFFC18  }
0x10b: {  	_ =	swait.ge [sflag:s9], $0x3E8  }
0x10c: {  	[sflag:s9] =	ssyncset.done $0x0  }
0x10d: {  	[sflag:s9] =	ssyncadd.s32 $0xFFFFFC18  }
0x10e: {  	_ =	swait.ge [sflag:s17], $0x3E80  }
0x10f: {  	[sflag:s17] =	ssyncset.done $0x0  }
0x110: {  	s11 =	simm.s32 $0x4E20;
	[sflag:s17] =	ssyncadd.s32 $0xFFFFC180  }
0x111: {  	[tilespmem:s11], [sflag:$0x6] =	stream.indirect.gather [hbm4b:s3+s29], $0x10, s29, s29, $0xb8;
	[tilespmem:$0x186A0] =	vst v63  }
0x112: {  	s19 =	simm.s32 $0xCB20  }
0x113: {  	[tilespmem:s19], [sflag:$0x8] =	stream.indirect.gather [hbm4b:s3+s29], $0x10, s4, s29, $0xb8;
	[tilespmem:$0x186A0] =	vst v63  }
0x114: {  	s20 =	rddreg [dreg:$0x10]  }
0x115: {  	[tilespmem:s12], [sflag:$0xA] =	stream.strided.gather [hbm4b:s20+s29], $0x3E80, s0, s29, $0x38;
	[tilespmem:$0x186A0] =	vst v63  }
0x116: {  	s21 =	simm.s32 $0x0;
	s22 =	rddreg [dreg:$0x11]  }
0x117: {  	[tilespmem:s21], [sflag:$0x1] =	stream.linear.gather [hbm4b:s22+s21], $0x3E8, $0x38;
	[tilespmem:$0x186A0] =	vst v63  }
0x118: {  	s23 =	simm.s32 $0x7;
	s20 =	rddreg [dreg:$0x12]  }
0x119: {  	[tilespmem:s25], [sflag:$0x3] =	stream.linear.gather [hbm4b:s20+s21], $0x3E8, $0x38;
	[tilespmem:$0x186A0] =	vst v63  }
0x11a: {  	v9 =	vmov s23;
	s20 =	simm.s32 $0xFE0  }
0x11b: {  	v9 =	vshrl.u32 v9, $0x3;
	s19 =	simm.s32 $0x8CE0;
	v10 =	vld [tilespmem:s20+$0x30]  }
0x11c: {  	v9 =	vshll.u32 v9, v1;
	v11 =	vld [tilespmem:s19+$0x30]  }
0x11d: {  	v9 =	vbroadcast v9, $0x0;
	v12 =	vld [tilespmem:s19+$0xFFFFFFC0]  }
0x11e: {  	v13 =	vld [tilespmem:s20+$0xFFFFFFD0]  }
0x11f: {  	v9 =	vadd.s32 v8, v9;
	v14 =	vld [tilespmem:s19+$0xFFFFFFD0]  }
0x120: {  	v15 =	vmov s21;
	s23 =	simm.s32 $0x3;
	s21 =	simm.s32 $0x1;
	v45 =	vld [tilespmem:s20+$0xFFFFFFE0]  }
0x121: {  	v48 =	vmov s23;
	s23 =	simm.s32 $0x6;
	v46 =	vld [tilespmem:s19+$0xFFFFFFE0];
	v10 =	vadd.f32 v11, v10;
	v11 =	vmov s21  }
0x122: {  	v15 =	vshrl.u32 v15, $0x3;
	v59 =	vmov s23;
	s22 =	simm.s32 $0x2;
	v49 =	vld [tilespmem:s20+$0xFFFFFFF0];
	v11 =	vshrl.u32 v11, $0x3  }
0x123: {  	v26 =	vshrl.u32 v59, $0x3;
	v47 =	vmov s22;
	s22 =	simm.s32 $0x5;
	v52 =	vld [tilespmem:s19+$0xFFFFFFF0];
	v11 =	vshll.u32 v11, v1  }
0x124: {  	v51 =	vmov s22;
	[tilespmem:v9+s1+$0x0] =	vst.idx.add.f32.msk $0xffff, v10;
	v10 =	vshrl.u32 v48, $0x3;
	v11 =	vbroadcast v11, $0x0  }
0x125: {  	v54 =	vld [tilespmem:s20+$0x0];
	v22 =	vshrl.u32 v51, $0x3;
	v9 =	vshrl.u32 v47, $0x3;
	v10 =	vshll.u32 v10, v1  }
0x126: {  	v55 =	vld [tilespmem:s19+$0x0];
	s21 =	simm.s32 $0x4;
	v9 =	vshll.u32 v9, v1;
	v10 =	vbroadcast v10, $0x0;
	v11 =	vadd.s32 v2, v11  }
0x127: {  	v56 =	vld [tilespmem:s20+$0x10];
	v22 =	vshll.u32 v22, v1;
	v50 =	vmov s21;
	v9 =	vbroadcast v9, $0x0  }
0x128: {  	v57 =	vld [tilespmem:s19+$0x10];
	v13 =	vadd.f32 v14, v13;
	v53 =	vshrl.u32 v50, $0x3;
	v10 =	vadd.s32 v4, v10  }
0x129: {  	v58 =	vld [tilespmem:s20+$0x20];
	v14 =	vbroadcast v22, $0x0;
	v19 =	vshll.u32 v53, v1;
	v9 =	vadd.s32 v3, v9  }
0x12a: {  	v15 =	vshll.u32 v15, v1;
	v26 =	vshll.u32 v26, v1;
	v61 =	vld [tilespmem:s19+$0x20];
	v19 =	vbroadcast v19, $0x0  }
0x12b: {  	v18 =	vadd.f32 v52, v49;
	v14 =	vadd.s32 v6, v14;
	[tilespmem:v11+s1+$0x0] =	vst.idx.add.f32.msk $0xffff, v13;
	v11 =	vbroadcast v26, $0x0  }
0x12c: {  	v62 =	vld [tilespmem:s20+$0xFFFFFFC0];
	v16 =	vadd.f32 v46, v45;
	v60 =	vadd.s32 v5, v19;
	v13 =	vbroadcast v15, $0x0  }
0x12d: {  	[tilespmem:v10+s1+$0x0] =	vst.idx.add.f32.msk $0xffff, v18;
	v10 =	vadd.s32 v7, v11  }
0x12e: {  	v63 =	vadd.f32 v57, v56;
	[tilespmem:v9+s1+$0x0] =	vst.idx.add.f32.msk $0xffff, v16;
	v9 =	vadd.s32 v0, v13  }
0x12f: {  	v15 =	vadd.f32 v55, v54  }
0x130: {  	[tilespmem:v14+s1+$0x0] =	vst.idx.add.f32.msk $0xffff, v63;
	v11 =	vadd.f32 v61, v58  }
0x131: {  	s10 =	simm.s32 $0x10;
	s22 =	simm.s32 $0xF;
	v12 =	vadd.f32 v12, v62;
	s21 =	simm.s32 $0x8;
	[tilespmem:v60+s1+$0x0] =	vst.idx.add.f32.msk $0xffff, v15  }
.LBB2_6:
0x132: {  	p0 =	slt.u32 s10, $0x3E0;
	v13 =	vmov s22;
	[tilespmem:v10+s1+$0x0] =	vst.idx.add.f32.msk $0xffff, v11  }
0x133: {  	s20 =	sadd.s32 $0x80, s20;
	v10 =	vshrl.u32 v13, $0x3;
	[tilespmem:v9+s1+$0x0] =	vst.idx.add.f32.msk $0xffff, v12  }
0x134: {  	s19 =	sadd.s32 $0x80, s19;
	v9 =	vld [tilespmem:s20+$0x30];
	v10 =	vshll.u32 v10, v1  }
0x135: {  	v11 =	vld [tilespmem:s19+$0x30];
	v10 =	vbroadcast v10, $0x0  }
0x136: {  	v12 =	vld [tilespmem:s19+$0xFFFFFFC0]  }
0x137: {  	v13 =	vmov s21;
	v14 =	vld [tilespmem:s20+$0xFFFFFFD0];
	v10 =	vadd.s32 v8, v10  }
0x138: {  	s11 =	sadd.s32 $0x1, s21;
	s22 =	sadd.s32 $0x2, s21;
	s23 =	sadd.s32 $0x3, s21;
	v13 =	vshrl.u32 v13, $0x3;
	v15 =	vld [tilespmem:s19+$0xFFFFFFD0]  }
0x139: {  	v16 =	vmov s11;
	v18 =	vmov s22;
	v19 =	vmov s23;
	s11 =	sadd.s32 $0x4, s21;
	s22 =	sadd.s32 $0x5, s21;
	v17 =	vld [tilespmem:s20+$0xFFFFFFE0]  }
0x13a: {  	v21 =	vmov s11;
	v22 =	vmov s22;
	s11 =	sadd.s32 $0x6, s21;
	s21 =	smov.u32 s10;
	v20 =	vld [tilespmem:s19+$0xFFFFFFE0];
	v9 =	vadd.f32 v11, v9  }
0x13b: {  	v23 =	vmov s11;
	v11 =	vshrl.u32 v16, $0x3;
	v16 =	vshrl.u32 v18, $0x3;
	v18 =	vld [tilespmem:s20+$0xFFFFFFF0]  }
0x13c: {  	v19 =	vshrl.u32 v19, $0x3;
	v21 =	vshrl.u32 v21, $0x3;
	v22 =	vshrl.u32 v22, $0x3;
	[tilespmem:v10+s1+$0x0] =	vst.idx.add.f32.msk $0xffff, v9  }
0x13d: {  	v10 =	vshll.u32 v11, v1;
	v9 =	vadd.f32 v15, v14;
	v11 =	vld [tilespmem:s19+$0xFFFFFFF0];
	v14 =	vshrl.u32 v23, $0x3  }
0x13e: {  	v10 =	vbroadcast v10, $0x0;
	v15 =	vshll.u32 v16, v1;
	v16 =	vshll.u32 v19, v1;
	v19 =	vld [tilespmem:s20+$0x0]  }
0x13f: {  	v21 =	vshll.u32 v21, v1;
	v15 =	vbroadcast v15, $0x0;
	v17 =	vadd.f32 v20, v17;
	v20 =	vld [tilespmem:s19+$0x0]  }
0x140: {  	v22 =	vshll.u32 v22, v1;
	v16 =	vbroadcast v16, $0x0;
	v10 =	vadd.s32 v2, v10;
	v23 =	vld [tilespmem:s20+$0x10]  }
0x141: {  	v21 =	vbroadcast v21, $0x0;
	v14 =	vshll.u32 v14, v1;
	v15 =	vadd.s32 v3, v15;
	v24 =	vld [tilespmem:s19+$0x10]  }
0x142: {  	v16 =	vadd.s32 v4, v16;
	v11 =	vadd.f32 v11, v18;
	v18 =	vbroadcast v22, $0x0;
	v22 =	vld [tilespmem:s20+$0x20]  }
0x143: {  	v13 =	vshll.u32 v13, v1;
	v21 =	vadd.s32 v5, v21;
	v14 =	vbroadcast v14, $0x0;
	v25 =	vld [tilespmem:s19+$0x20]  }
0x144: {  	v13 =	vbroadcast v13, $0x0;
	v26 =	vld [tilespmem:s20+$0xFFFFFFC0];
	v19 =	vadd.f32 v20, v19;
	v18 =	vadd.s32 v6, v18  }
.Ltmp2:
0x145: {  	[tilespmem:v10+s1+$0x0] =	vst.idx.add.f32.msk $0xffff, v9;
	v10 =	vadd.s32 v7, v14;
	(pc) =	sbr.rel @p0 .LBB2_6-.Ltmp2, $4  }
0x146: {  	v9 =	vadd.s32 v0, v13;
	[tilespmem:v15+s1+$0x0] =	vst.idx.add.f32.msk $0xffff, v17;
	v13 =	vadd.f32 v24, v23  }
0x147: {  	[tilespmem:v16+s1+$0x0] =	vst.idx.add.f32.msk $0xffff, v11  }
0x148: {  	[tilespmem:v21+s1+$0x0] =	vst.idx.add.f32.msk $0xffff, v19;
	v11 =	vadd.f32 v25, v22  }
0x149: {  	s10 =	sadd.s32 $0x8, s10;
	s22 =	sadd.s32 $0x7, s21;
	v12 =	vadd.f32 v12, v26;
	[tilespmem:v18+s1+$0x0] =	vst.idx.add.f32.msk $0xffff, v13  }
0x14a: {  	_ =	sdelay $0x3  }
0x14b: {  	[tilespmem:v10+s1+$0x0] =	vst.idx.add.f32.msk $0xffff, v11  }
0x14c: {  	s10 =	sadd.s32 $0x80, s20;
	[tilespmem:v9+s1+$0x0] =	vst.idx.add.f32.msk $0xffff, v12  }
0x14d: {  	v13 =	vmov s22;
	s11 =	sadd.s32 $0x80, s19;
	v9 =	vld [tilespmem:s10+$0x30]  }
0x14e: {  	v10 =	vshrl.u32 v13, $0x3;
	v11 =	vld [tilespmem:s11+$0x30]  }
0x14f: {  	v12 =	vld [tilespmem:s11+$0xFFFFFFC0];
	v10 =	vshll.u32 v10, v1  }
0x150: {  	v14 =	vmov s21;
	v13 =	vld [tilespmem:s10+$0xFFFFFFD0];
	v10 =	vbroadcast v10, $0x0  }
0x151: {  	s20 =	sadd.s32 $0x1, s21;
	s23 =	sadd.s32 $0x3, s21;
	v15 =	vld [tilespmem:s11+$0xFFFFFFD0];
	v14 =	vshrl.u32 v14, $0x3  }
0x152: {  	s22 =	sadd.s32 $0x2, s21;
	v16 =	vmov s20;
	v17 =	vld [tilespmem:s10+$0xFFFFFFE0];
	v19 =	vmov s23;
	s23 =	sadd.s32 $0x5, s21;
	v10 =	vadd.s32 v8, v10  }
0x153: {  	v18 =	vmov s22;
	v20 =	vld [tilespmem:s11+$0xFFFFFFE0];
	s20 =	sadd.s32 $0x6, s21;
	v21 =	vmov s23;
	v16 =	vshrl.u32 v16, $0x3  }
0x154: {  	v22 =	vld [tilespmem:s10+$0xFFFFFFF0];
	v18 =	vshrl.u32 v18, $0x3;
	v23 =	vmov s20;
	v19 =	vshrl.u32 v19, $0x3  }
0x155: {  	s22 =	sadd.s32 $0x4, s21;
	v40 =	vld [tilespmem:s11+$0xFFFFFFF0];
	v14 =	vshll.u32 v14, v1;
	v42 =	vshrl.u32 v23, $0x3;
	v9 =	vadd.f32 v11, v9  }
0x156: {  	v44 =	vld [tilespmem:s10+$0xFFFFFFC0];
	v19 =	vshll.u32 v19, v1;
	v14 =	vbroadcast v14, $0x0;
	v11 =	vmov s22  }
0x157: {  	v19 =	vbroadcast v19, $0x0;
	[tilespmem:v10+s1+$0x0] =	vst.idx.add.f32.msk $0xffff, v9;
	v9 =	vshrl.u32 v11, $0x3;
	v11 =	vshll.u32 v16, v1  }
0x158: {  	v41 =	vld [tilespmem:s10+$0x0];
	v13 =	vadd.f32 v15, v13;
	v15 =	vshll.u32 v18, v1;
	v11 =	vbroadcast v11, $0x0  }
0x159: {  	v43 =	vld [tilespmem:s11+$0x0];
	v14 =	vadd.s32 v0, v14;
	v19 =	vadd.s32 v4, v19;
	v15 =	vbroadcast v15, $0x0  }
0x15a: {  	v24 =	vld [tilespmem:s10+$0x10];
	v10 =	vshrl.u32 v21, $0x3;
	v9 =	vshll.u32 v9, v1;
	v11 =	vadd.s32 v2, v11  }
0x15b: {  	v25 =	vld [tilespmem:s11+$0x10];
	v12 =	vadd.f32 v12, v44;
	v10 =	vshll.u32 v10, v1;
	v9 =	vbroadcast v9, $0x0  }
0x15c: {  	v26 =	vld [tilespmem:s10+$0x20];
	v15 =	vadd.s32 v3, v15;
	v21 =	vshll.u32 v42, v1;
	v10 =	vbroadcast v10, $0x0  }
0x15d: {  	v27 =	vld [tilespmem:s11+$0x20];
	v21 =	vbroadcast v21, $0x0;
	v9 =	vadd.s32 v5, v9  }
0x15e: {  	v16 =	vadd.f32 v40, v22;
	[tilespmem:v14+s1+$0x0] =	vst.idx.add.f32.msk $0xffff, v12;
	v10 =	vadd.s32 v6, v10  }
0x15f: {  	v17 =	vadd.f32 v20, v17;
	[tilespmem:v11+s1+$0x0] =	vst.idx.add.f32.msk $0xffff, v13;
	v11 =	vadd.s32 v7, v21  }
0x160: {  	[tilespmem:v19+s1+$0x0] =	vst.idx.add.f32.msk $0xffff, v16;
	v13 =	vadd.f32 v43, v41  }
0x161: {  	[tilespmem:v15+s1+$0x0] =	vst.idx.add.f32.msk $0xffff, v17;
	v15 =	vadd.f32 v25, v24  }
0x162: {  	[tilespmem:v9+s1+$0x0] =	vst.idx.add.f32.msk $0xffff, v13;
	v9 =	vadd.f32 v27, v26  }
0x163: {  	[tilespmem:v10+s1+$0x0] =	vst.idx.add.f32.msk $0xffff, v15  }
0x164: {  	[tilespmem:v11+s1+$0x0] =	vst.idx.add.f32.msk $0xffff, v9  }
0x165: {  	s21 =	rddreg [dreg:$0x13]  }
0x166: {  	[hbm4b:s21+s29] =	stream.strided.scatter [tilespmem:s1], [sflag:$0xB], $0x3E80, s0, s29, $0x38;
	[tilespmem:$0x186A0] =	vst v63  }
0x167: {  	_ =	swait.ge [sflag:s13], $0x3E80  }
0x168: {  	[sflag:s13] =	ssyncset.done $0x0  }
0x169: {  	[sflag:s13] =	ssyncadd.s32 $0xFFFFC180  }
0x16a: {  	_ =	swait.ge [sflag:s14], $0x3E80  }
0x16b: {  	[sflag:s14] =	ssyncset.done $0x0  }
0x16c: {  	[sflag:s14] =	ssyncadd.s32 $0xFFFFC180  }
0x16d: {  	_ =	swait.ge [sflag:s15], $0x3E80  }
0x16e: {  	[sflag:s15] =	ssyncset.done $0x0  }
0x16f: {  	[sflag:s15] =	ssyncadd.s32 $0xFFFFC180  }
0x170: {  	_ =	swait.ge [sflag:s26], $0x3E8  }
0x171: {  	[sflag:s26] =	ssyncset.done $0x0  }
0x172: {  	[sflag:s26] =	ssyncadd.s32 $0xFFFFFC18  }
0x173: {  	_ =	swait.ge [sflag:s28], $0x3E8  }
0x174: {  	[sflag:s28] =	ssyncset.done $0x0  }
0x175: {  	[sflag:s28] =	ssyncadd.s32 $0xFFFFFC18  }
0x176: {  	_ =	swait.ge [sflag:s16], $0x3E80  }
0x177: {  	[sflag:s16] =	ssyncset.done $0x0  }
0x178: {  	s22 =	simm.s32 $0x0;
	[sflag:s16] =	ssyncadd.s32 $0xFFFFC180  }
0x179: {  	[tilespmem:s30], [sflag:$0x5] =	stream.indirect.gather [hbm4b:s3+s29], $0x10, s22, s29, $0xb8;
	[tilespmem:$0x186A0] =	vst v63  }
0x17a: {  	_ = 	snop  }
0x17b: {  	[tilespmem:s31], [sflag:$0x7] =	stream.indirect.gather [hbm4b:s3+s29], $0x10, s25, s29, $0xb8;
	[tilespmem:$0x186A0] =	vst v63  }
0x17c: {  	s23 =	simm.s32 $0x7;
	s20 =	rddreg [dreg:$0x14]  }
0x17d: {  	[tilespmem:s1], [sflag:$0x9] =	stream.strided.gather [hbm4b:s20+s29], $0x3E80, s0, s29, $0x38;
	[tilespmem:$0x186A0] =	vst v63  }
0x17e: {  	v9 =	vmov s23;
	s20 =	simm.s32 $0x4E60  }
0x17f: {  	s19 =	simm.s32 $0xCB60;
	v9 =	vshrl.u32 v9, $0x3;
	v10 =	vld [tilespmem:s20+$0x30]  }
0x180: {  	v9 =	vshll.u32 v9, v1;
	v11 =	vld [tilespmem:s19+$0x30]  }
0x181: {  	v9 =	vbroadcast v9, $0x0;
	v12 =	vld [tilespmem:s19+$0xFFFFFFC0]  }
0x182: {  	v13 =	vld [tilespmem:s20+$0xFFFFFFD0]  }
0x183: {  	v9 =	vadd.s32 v8, v9;
	v14 =	vld [tilespmem:s19+$0xFFFFFFD0]  }
0x184: {  	v15 =	vmov s22;
	s23 =	simm.s32 $0x3;
	s21 =	simm.s32 $0x1;
	v45 =	vld [tilespmem:s20+$0xFFFFFFE0]  }
0x185: {  	v48 =	vmov s23;
	s23 =	simm.s32 $0x6;
	v46 =	vld [tilespmem:s19+$0xFFFFFFE0];
	v10 =	vadd.f32 v11, v10;
	v11 =	vmov s21  }
0x186: {  	v15 =	vshrl.u32 v15, $0x3;
	v59 =	vmov s23;
	s22 =	simm.s32 $0x2;
	v49 =	vld [tilespmem:s20+$0xFFFFFFF0];
	v11 =	vshrl.u32 v11, $0x3  }
0x187: {  	v26 =	vshrl.u32 v59, $0x3;
	v47 =	vmov s22;
	s22 =	simm.s32 $0x5;
	v52 =	vld [tilespmem:s19+$0xFFFFFFF0];
	v11 =	vshll.u32 v11, v1  }
0x188: {  	v51 =	vmov s22;
	[tilespmem:v9+s12+$0x0] =	vst.idx.add.f32.msk $0xffff, v10;
	v10 =	vshrl.u32 v48, $0x3;
	v11 =	vbroadcast v11, $0x0  }
0x189: {  	v22 =	vshrl.u32 v51, $0x3;
	v54 =	vld [tilespmem:s20+$0x0];
	v9 =	vshrl.u32 v47, $0x3;
	v10 =	vshll.u32 v10, v1  }
0x18a: {  	v55 =	vld [tilespmem:s19+$0x0];
	s21 =	simm.s32 $0x4;
	v9 =	vshll.u32 v9, v1;
	v10 =	vbroadcast v10, $0x0;
	v11 =	vadd.s32 v2, v11  }
0x18b: {  	v22 =	vshll.u32 v22, v1;
	v56 =	vld [tilespmem:s20+$0x10];
	v50 =	vmov s21;
	v9 =	vbroadcast v9, $0x0  }
0x18c: {  	v57 =	vld [tilespmem:s19+$0x10];
	v13 =	vadd.f32 v14, v13;
	v53 =	vshrl.u32 v50, $0x3;
	v10 =	vadd.s32 v4, v10  }
0x18d: {  	v58 =	vld [tilespmem:s20+$0x20];
	v14 =	vbroadcast v22, $0x0;
	v19 =	vshll.u32 v53, v1;
	v9 =	vadd.s32 v3, v9  }
0x18e: {  	v15 =	vshll.u32 v15, v1;
	v26 =	vshll.u32 v26, v1;
	v61 =	vld [tilespmem:s19+$0x20];
	v19 =	vbroadcast v19, $0x0  }
0x18f: {  	v18 =	vadd.f32 v52, v49;
	v14 =	vadd.s32 v6, v14;
	[tilespmem:v11+s12+$0x0] =	vst.idx.add.f32.msk $0xffff, v13;
	v11 =	vbroadcast v26, $0x0  }
0x190: {  	v62 =	vld [tilespmem:s20+$0xFFFFFFC0];
	v16 =	vadd.f32 v46, v45;
	v60 =	vadd.s32 v5, v19;
	v13 =	vbroadcast v15, $0x0  }
0x191: {  	[tilespmem:v10+s12+$0x0] =	vst.idx.add.f32.msk $0xffff, v18;
	v10 =	vadd.s32 v7, v11  }
0x192: {  	v63 =	vadd.f32 v57, v56;
	[tilespmem:v9+s12+$0x0] =	vst.idx.add.f32.msk $0xffff, v16;
	v9 =	vadd.s32 v0, v13  }
0x193: {  	v15 =	vadd.f32 v55, v54  }
0x194: {  	[tilespmem:v14+s12+$0x0] =	vst.idx.add.f32.msk $0xffff, v63;
	v11 =	vadd.f32 v61, v58  }
0x195: {  	s10 =	simm.s32 $0x10;
	s22 =	simm.s32 $0xF;
	v12 =	vadd.f32 v12, v62;
	s21 =	simm.s32 $0x8;
	[tilespmem:v60+s12+$0x0] =	vst.idx.add.f32.msk $0xffff, v15  }
.LBB2_8:
0x196: {  	p0 =	slt.u32 s10, $0x3E0;
	v13 =	vmov s22;
	[tilespmem:v10+s12+$0x0] =	vst.idx.add.f32.msk $0xffff, v11  }
0x197: {  	s20 =	sadd.s32 $0x80, s20;
	v10 =	vshrl.u32 v13, $0x3;
	[tilespmem:v9+s12+$0x0] =	vst.idx.add.f32.msk $0xffff, v12  }
0x198: {  	s19 =	sadd.s32 $0x80, s19;
	v9 =	vld [tilespmem:s20+$0x30];
	v10 =	vshll.u32 v10, v1  }
0x199: {  	v11 =	vld [tilespmem:s19+$0x30];
	v10 =	vbroadcast v10, $0x0  }
0x19a: {  	v12 =	vld [tilespmem:s19+$0xFFFFFFC0]  }
0x19b: {  	v13 =	vmov s21;
	v14 =	vld [tilespmem:s20+$0xFFFFFFD0];
	v10 =	vadd.s32 v8, v10  }
0x19c: {  	s11 =	sadd.s32 $0x1, s21;
	s22 =	sadd.s32 $0x2, s21;
	s23 =	sadd.s32 $0x3, s21;
	v13 =	vshrl.u32 v13, $0x3;
	v15 =	vld [tilespmem:s19+$0xFFFFFFD0]  }
0x19d: {  	v16 =	vmov s11;
	v18 =	vmov s22;
	v19 =	vmov s23;
	s11 =	sadd.s32 $0x4, s21;
	s22 =	sadd.s32 $0x5, s21;
	v17 =	vld [tilespmem:s20+$0xFFFFFFE0]  }
0x19e: {  	v21 =	vmov s11;
	v22 =	vmov s22;
	s11 =	sadd.s32 $0x6, s21;
	s21 =	smov.u32 s10;
	v20 =	vld [tilespmem:s19+$0xFFFFFFE0];
	v9 =	vadd.f32 v11, v9  }
0x19f: {  	v23 =	vmov s11;
	v11 =	vshrl.u32 v16, $0x3;
	v16 =	vshrl.u32 v18, $0x3;
	v18 =	vld [tilespmem:s20+$0xFFFFFFF0]  }
0x1a0: {  	v19 =	vshrl.u32 v19, $0x3;
	v21 =	vshrl.u32 v21, $0x3;
	v22 =	vshrl.u32 v22, $0x3;
	[tilespmem:v10+s12+$0x0] =	vst.idx.add.f32.msk $0xffff, v9  }
0x1a1: {  	v10 =	vshll.u32 v11, v1;
	v9 =	vadd.f32 v15, v14;
	v11 =	vld [tilespmem:s19+$0xFFFFFFF0];
	v14 =	vshrl.u32 v23, $0x3  }
0x1a2: {  	v10 =	vbroadcast v10, $0x0;
	v15 =	vshll.u32 v16, v1;
	v16 =	vshll.u32 v19, v1;
	v19 =	vld [tilespmem:s20+$0x0]  }
0x1a3: {  	v21 =	vshll.u32 v21, v1;
	v15 =	vbroadcast v15, $0x0;
	v17 =	vadd.f32 v20, v17;
	v20 =	vld [tilespmem:s19+$0x0]  }
0x1a4: {  	v22 =	vshll.u32 v22, v1;
	v16 =	vbroadcast v16, $0x0;
	v10 =	vadd.s32 v2, v10;
	v23 =	vld [tilespmem:s20+$0x10]  }
0x1a5: {  	v21 =	vbroadcast v21, $0x0;
	v14 =	vshll.u32 v14, v1;
	v15 =	vadd.s32 v3, v15;
	v24 =	vld [tilespmem:s19+$0x10]  }
0x1a6: {  	v16 =	vadd.s32 v4, v16;
	v11 =	vadd.f32 v11, v18;
	v18 =	vbroadcast v22, $0x0;
	v22 =	vld [tilespmem:s20+$0x20]  }
0x1a7: {  	v13 =	vshll.u32 v13, v1;
	v21 =	vadd.s32 v5, v21;
	v14 =	vbroadcast v14, $0x0;
	v25 =	vld [tilespmem:s19+$0x20]  }
0x1a8: {  	v13 =	vbroadcast v13, $0x0;
	v26 =	vld [tilespmem:s20+$0xFFFFFFC0];
	v19 =	vadd.f32 v20, v19;
	v18 =	vadd.s32 v6, v18  }
.Ltmp3:
0x1a9: {  	[tilespmem:v10+s12+$0x0] =	vst.idx.add.f32.msk $0xffff, v9;
	v10 =	vadd.s32 v7, v14;
	(pc) =	sbr.rel @p0 .LBB2_8-.Ltmp3, $4  }
0x1aa: {  	v9 =	vadd.s32 v0, v13;
	[tilespmem:v15+s12+$0x0] =	vst.idx.add.f32.msk $0xffff, v17;
	v13 =	vadd.f32 v24, v23  }
0x1ab: {  	[tilespmem:v16+s12+$0x0] =	vst.idx.add.f32.msk $0xffff, v11  }
0x1ac: {  	[tilespmem:v21+s12+$0x0] =	vst.idx.add.f32.msk $0xffff, v19;
	v11 =	vadd.f32 v25, v22  }
0x1ad: {  	s10 =	sadd.s32 $0x8, s10;
	s22 =	sadd.s32 $0x7, s21;
	v12 =	vadd.f32 v12, v26;
	[tilespmem:v18+s12+$0x0] =	vst.idx.add.f32.msk $0xffff, v13  }
0x1ae: {  	_ =	sdelay $0x3  }
0x1af: {  	[tilespmem:v10+s12+$0x0] =	vst.idx.add.f32.msk $0xffff, v11  }
0x1b0: {  	s10 =	sadd.s32 $0x80, s20;
	[tilespmem:v9+s12+$0x0] =	vst.idx.add.f32.msk $0xffff, v12  }
0x1b1: {  	v13 =	vmov s22;
	s11 =	sadd.s32 $0x80, s19;
	v9 =	vld [tilespmem:s10+$0x30]  }
0x1b2: {  	v10 =	vshrl.u32 v13, $0x3;
	v11 =	vld [tilespmem:s11+$0x30]  }
0x1b3: {  	v12 =	vld [tilespmem:s11+$0xFFFFFFC0];
	v10 =	vshll.u32 v10, v1  }
0x1b4: {  	v14 =	vmov s21;
	v13 =	vld [tilespmem:s10+$0xFFFFFFD0];
	v10 =	vbroadcast v10, $0x0  }
0x1b5: {  	s20 =	sadd.s32 $0x1, s21;
	s23 =	sadd.s32 $0x3, s21;
	v15 =	vld [tilespmem:s11+$0xFFFFFFD0];
	v14 =	vshrl.u32 v14, $0x3  }
0x1b6: {  	s22 =	sadd.s32 $0x2, s21;
	v16 =	vmov s20;
	v17 =	vld [tilespmem:s10+$0xFFFFFFE0];
	v19 =	vmov s23;
	s23 =	sadd.s32 $0x5, s21;
	v10 =	vadd.s32 v8, v10  }
0x1b7: {  	v18 =	vmov s22;
	s22 =	sadd.s32 $0x4, s21;
	v20 =	vld [tilespmem:s11+$0xFFFFFFE0];
	s21 =	sadd.s32 $0x6, s21;
	v21 =	vmov s23;
	v16 =	vshrl.u32 v16, $0x3  }
0x1b8: {  	v22 =	vld [tilespmem:s10+$0xFFFFFFF0];
	v18 =	vshrl.u32 v18, $0x3;
	v23 =	vmov s21;
	v19 =	vshrl.u32 v19, $0x3  }
0x1b9: {  	v40 =	vld [tilespmem:s11+$0xFFFFFFF0];
	v14 =	vshll.u32 v14, v1;
	v42 =	vshrl.u32 v23, $0x3;
	v9 =	vadd.f32 v11, v9  }
0x1ba: {  	v44 =	vld [tilespmem:s10+$0xFFFFFFC0];
	v19 =	vshll.u32 v19, v1;
	v14 =	vbroadcast v14, $0x0;
	v11 =	vmov s22  }
0x1bb: {  	v19 =	vbroadcast v19, $0x0;
	[tilespmem:v10+s12+$0x0] =	vst.idx.add.f32.msk $0xffff, v9;
	v9 =	vshrl.u32 v11, $0x3;
	v11 =	vshll.u32 v16, v1  }
0x1bc: {  	v41 =	vld [tilespmem:s10+$0x0];
	v13 =	vadd.f32 v15, v13;
	v15 =	vshll.u32 v18, v1;
	v11 =	vbroadcast v11, $0x0  }
0x1bd: {  	v43 =	vld [tilespmem:s11+$0x0];
	v14 =	vadd.s32 v0, v14;
	v19 =	vadd.s32 v4, v19;
	v15 =	vbroadcast v15, $0x0  }
0x1be: {  	v24 =	vld [tilespmem:s10+$0x10];
	v10 =	vshrl.u32 v21, $0x3;
	v9 =	vshll.u32 v9, v1;
	v11 =	vadd.s32 v2, v11  }
0x1bf: {  	v25 =	vld [tilespmem:s11+$0x10];
	v12 =	vadd.f32 v12, v44;
	v10 =	vshll.u32 v10, v1;
	v9 =	vbroadcast v9, $0x0  }
0x1c0: {  	v26 =	vld [tilespmem:s10+$0x20];
	v15 =	vadd.s32 v3, v15;
	v21 =	vshll.u32 v42, v1;
	v10 =	vbroadcast v10, $0x0  }
0x1c1: {  	v27 =	vld [tilespmem:s11+$0x20];
	v21 =	vbroadcast v21, $0x0;
	v9 =	vadd.s32 v5, v9  }
0x1c2: {  	v16 =	vadd.f32 v40, v22;
	[tilespmem:v14+s12+$0x0] =	vst.idx.add.f32.msk $0xffff, v12;
	v10 =	vadd.s32 v6, v10  }
0x1c3: {  	v17 =	vadd.f32 v20, v17;
	[tilespmem:v11+s12+$0x0] =	vst.idx.add.f32.msk $0xffff, v13;
	v11 =	vadd.s32 v7, v21  }
0x1c4: {  	[tilespmem:v19+s12+$0x0] =	vst.idx.add.f32.msk $0xffff, v16;
	v13 =	vadd.f32 v43, v41  }
0x1c5: {  	[tilespmem:v15+s12+$0x0] =	vst.idx.add.f32.msk $0xffff, v17;
	v15 =	vadd.f32 v25, v24  }
0x1c6: {  	[tilespmem:v9+s12+$0x0] =	vst.idx.add.f32.msk $0xffff, v13;
	v9 =	vadd.f32 v27, v26  }
0x1c7: {  	[tilespmem:v10+s12+$0x0] =	vst.idx.add.f32.msk $0xffff, v15  }
0x1c8: {  	[tilespmem:v11+s12+$0x0] =	vst.idx.add.f32.msk $0xffff, v9  }
0x1c9: {  	s22 =	rddreg [dreg:$0x15]  }
0x1ca: {  	[hbm4b:s22+s29] =	stream.strided.scatter [tilespmem:s12], [sflag:$0xC], $0x3E80, s0, s29, $0x38;
	[tilespmem:$0x186A0] =	vst v63  }
0x1cb: {  	_ =	swait.ge [sflag:s5], $0x3E80  }
0x1cc: {  	[sflag:s5] =	ssyncset.done $0x0  }
0x1cd: {  	[sflag:s5] =	ssyncadd.s32 $0xFFFFC180  }
0x1ce: {  	_ =	swait.ge [sflag:s6], $0x3E80  }
0x1cf: {  	[sflag:s6] =	ssyncset.done $0x0  }
0x1d0: {  	[sflag:s6] =	ssyncadd.s32 $0xFFFFC180  }
0x1d1: {  	_ =	swait.ge [sflag:s7], $0x3E80  }
0x1d2: {  	s23 =	simm.s32 $0x7;
	[sflag:s7] =	ssyncset.done $0x0  }
0x1d3: {  	s20 =	simm.s32 $0xFE0;
	v9 =	vmov s23;
	[sflag:s7] =	ssyncadd.s32 $0xFFFFC180  }
0x1d4: {  	s19 =	simm.s32 $0x8CE0;
	v9 =	vshrl.u32 v9, $0x3;
	v10 =	vld [tilespmem:s20+$0x30]  }
0x1d5: {  	v9 =	vshll.u32 v9, v1;
	v11 =	vld [tilespmem:s19+$0x30]  }
0x1d6: {  	v9 =	vbroadcast v9, $0x0;
	v12 =	vld [tilespmem:s19+$0xFFFFFFC0]  }
0x1d7: {  	v13 =	vld [tilespmem:s20+$0xFFFFFFD0]  }
0x1d8: {  	s11 =	simm.s32 $0x0;
	v9 =	vadd.s32 v8, v9;
	v14 =	vld [tilespmem:s19+$0xFFFFFFD0]  }
0x1d9: {  	s21 =	simm.s32 $0x1;
	v15 =	vmov s11;
	s23 =	simm.s32 $0x3;
	v45 =	vld [tilespmem:s20+$0xFFFFFFE0]  }
0x1da: {  	v48 =	vmov s23;
	s23 =	simm.s32 $0x6;
	v46 =	vld [tilespmem:s19+$0xFFFFFFE0];
	v10 =	vadd.f32 v11, v10;
	v11 =	vmov s21  }
0x1db: {  	v15 =	vshrl.u32 v15, $0x3;
	s22 =	simm.s32 $0x2;
	v59 =	vmov s23;
	v49 =	vld [tilespmem:s20+$0xFFFFFFF0];
	v11 =	vshrl.u32 v11, $0x3  }
0x1dc: {  	v47 =	vmov s22;
	s22 =	simm.s32 $0x5;
	v26 =	vshrl.u32 v59, $0x3;
	v52 =	vld [tilespmem:s19+$0xFFFFFFF0];
	v11 =	vshll.u32 v11, v1  }
0x1dd: {  	v51 =	vmov s22;
	[tilespmem:v9+s1+$0x0] =	vst.idx.add.f32.msk $0xffff, v10;
	v10 =	vshrl.u32 v48, $0x3;
	v11 =	vbroadcast v11, $0x0  }
0x1de: {  	v22 =	vshrl.u32 v51, $0x3;
	v54 =	vld [tilespmem:s20+$0x0];
	v9 =	vshrl.u32 v47, $0x3;
	v10 =	vshll.u32 v10, v1  }
0x1df: {  	v55 =	vld [tilespmem:s19+$0x0];
	s21 =	simm.s32 $0x4;
	v9 =	vshll.u32 v9, v1;
	v10 =	vbroadcast v10, $0x0;
	v11 =	vadd.s32 v2, v11  }
0x1e0: {  	v22 =	vshll.u32 v22, v1;
	v56 =	vld [tilespmem:s20+$0x10];
	v50 =	vmov s21;
	v9 =	vbroadcast v9, $0x0  }
0x1e1: {  	v57 =	vld [tilespmem:s19+$0x10];
	v13 =	vadd.f32 v14, v13;
	v53 =	vshrl.u32 v50, $0x3;
	v10 =	vadd.s32 v4, v10  }
0x1e2: {  	v58 =	vld [tilespmem:s20+$0x20];
	v14 =	vbroadcast v22, $0x0;
	v19 =	vshll.u32 v53, v1;
	v9 =	vadd.s32 v3, v9  }
0x1e3: {  	v15 =	vshll.u32 v15, v1;
	v26 =	vshll.u32 v26, v1;
	v61 =	vld [tilespmem:s19+$0x20];
	v19 =	vbroadcast v19, $0x0  }
0x1e4: {  	v18 =	vadd.f32 v52, v49;
	v14 =	vadd.s32 v6, v14;
	[tilespmem:v11+s1+$0x0] =	vst.idx.add.f32.msk $0xffff, v13;
	v11 =	vbroadcast v26, $0x0  }
0x1e5: {  	v62 =	vld [tilespmem:s20+$0xFFFFFFC0];
	v16 =	vadd.f32 v46, v45;
	v60 =	vadd.s32 v5, v19;
	v13 =	vbroadcast v15, $0x0  }
0x1e6: {  	[tilespmem:v10+s1+$0x0] =	vst.idx.add.f32.msk $0xffff, v18;
	v10 =	vadd.s32 v7, v11  }
0x1e7: {  	v63 =	vadd.f32 v57, v56;
	[tilespmem:v9+s1+$0x0] =	vst.idx.add.f32.msk $0xffff, v16;
	v9 =	vadd.s32 v0, v13  }
0x1e8: {  	v15 =	vadd.f32 v55, v54  }
0x1e9: {  	[tilespmem:v14+s1+$0x0] =	vst.idx.add.f32.msk $0xffff, v63;
	v11 =	vadd.f32 v61, v58  }
0x1ea: {  	s10 =	simm.s32 $0x10;
	s22 =	simm.s32 $0xF;
	v12 =	vadd.f32 v12, v62;
	s21 =	simm.s32 $0x8;
	[tilespmem:v60+s1+$0x0] =	vst.idx.add.f32.msk $0xffff, v15  }
.LBB2_10:
0x1eb: {  	p0 =	slt.u32 s10, $0x3E0;
	v13 =	vmov s22;
	[tilespmem:v10+s1+$0x0] =	vst.idx.add.f32.msk $0xffff, v11  }
0x1ec: {  	s20 =	sadd.s32 $0x80, s20;
	v10 =	vshrl.u32 v13, $0x3;
	[tilespmem:v9+s1+$0x0] =	vst.idx.add.f32.msk $0xffff, v12  }
0x1ed: {  	s19 =	sadd.s32 $0x80, s19;
	v9 =	vld [tilespmem:s20+$0x30];
	v10 =	vshll.u32 v10, v1  }
0x1ee: {  	v11 =	vld [tilespmem:s19+$0x30];
	v10 =	vbroadcast v10, $0x0  }
0x1ef: {  	v12 =	vld [tilespmem:s19+$0xFFFFFFC0]  }
0x1f0: {  	v13 =	vmov s21;
	v14 =	vld [tilespmem:s20+$0xFFFFFFD0];
	v10 =	vadd.s32 v8, v10  }
0x1f1: {  	s11 =	sadd.s32 $0x1, s21;
	s22 =	sadd.s32 $0x2, s21;
	s23 =	sadd.s32 $0x3, s21;
	v13 =	vshrl.u32 v13, $0x3;
	v15 =	vld [tilespmem:s19+$0xFFFFFFD0]  }
0x1f2: {  	v16 =	vmov s11;
	v18 =	vmov s22;
	v19 =	vmov s23;
	s11 =	sadd.s32 $0x4, s21;
	s22 =	sadd.s32 $0x5, s21;
	v17 =	vld [tilespmem:s20+$0xFFFFFFE0]  }
0x1f3: {  	v21 =	vmov s11;
	v22 =	vmov s22;
	s11 =	sadd.s32 $0x6, s21;
	s21 =	smov.u32 s10;
	v20 =	vld [tilespmem:s19+$0xFFFFFFE0];
	v9 =	vadd.f32 v11, v9  }
0x1f4: {  	v23 =	vmov s11;
	v11 =	vshrl.u32 v16, $0x3;
	v16 =	vshrl.u32 v18, $0x3;
	v18 =	vld [tilespmem:s20+$0xFFFFFFF0]  }
0x1f5: {  	v19 =	vshrl.u32 v19, $0x3;
	v21 =	vshrl.u32 v21, $0x3;
	v22 =	vshrl.u32 v22, $0x3;
	[tilespmem:v10+s1+$0x0] =	vst.idx.add.f32.msk $0xffff, v9  }
0x1f6: {  	v10 =	vshll.u32 v11, v1;
	v9 =	vadd.f32 v15, v14;
	v11 =	vld [tilespmem:s19+$0xFFFFFFF0];
	v14 =	vshrl.u32 v23, $0x3  }
0x1f7: {  	v10 =	vbroadcast v10, $0x0;
	v15 =	vshll.u32 v16, v1;
	v16 =	vshll.u32 v19, v1;
	v19 =	vld [tilespmem:s20+$0x0]  }
0x1f8: {  	v21 =	vshll.u32 v21, v1;
	v15 =	vbroadcast v15, $0x0;
	v17 =	vadd.f32 v20, v17;
	v20 =	vld [tilespmem:s19+$0x0]  }
0x1f9: {  	v22 =	vshll.u32 v22, v1;
	v16 =	vbroadcast v16, $0x0;
	v10 =	vadd.s32 v2, v10;
	v23 =	vld [tilespmem:s20+$0x10]  }
0x1fa: {  	v21 =	vbroadcast v21, $0x0;
	v14 =	vshll.u32 v14, v1;
	v15 =	vadd.s32 v3, v15;
	v24 =	vld [tilespmem:s19+$0x10]  }
0x1fb: {  	v16 =	vadd.s32 v4, v16;
	v11 =	vadd.f32 v11, v18;
	v18 =	vbroadcast v22, $0x0;
	v22 =	vld [tilespmem:s20+$0x20]  }
0x1fc: {  	v13 =	vshll.u32 v13, v1;
	v21 =	vadd.s32 v5, v21;
	v14 =	vbroadcast v14, $0x0;
	v25 =	vld [tilespmem:s19+$0x20]  }
0x1fd: {  	v13 =	vbroadcast v13, $0x0;
	v26 =	vld [tilespmem:s20+$0xFFFFFFC0];
	v19 =	vadd.f32 v20, v19;
	v18 =	vadd.s32 v6, v18  }
.Ltmp4:
0x1fe: {  	[tilespmem:v10+s1+$0x0] =	vst.idx.add.f32.msk $0xffff, v9;
	v10 =	vadd.s32 v7, v14;
	(pc) =	sbr.rel @p0 .LBB2_10-.Ltmp4, $4  }
0x1ff: {  	v9 =	vadd.s32 v0, v13;
	[tilespmem:v15+s1+$0x0] =	vst.idx.add.f32.msk $0xffff, v17;
	v13 =	vadd.f32 v24, v23  }
0x200: {  	[tilespmem:v16+s1+$0x0] =	vst.idx.add.f32.msk $0xffff, v11  }
0x201: {  	[tilespmem:v21+s1+$0x0] =	vst.idx.add.f32.msk $0xffff, v19;
	v11 =	vadd.f32 v25, v22  }
0x202: {  	s10 =	sadd.s32 $0x8, s10;
	s22 =	sadd.s32 $0x7, s21;
	v12 =	vadd.f32 v12, v26;
	[tilespmem:v18+s1+$0x0] =	vst.idx.add.f32.msk $0xffff, v13  }
0x203: {  	_ =	sdelay $0x3  }
0x204: {  	[tilespmem:v10+s1+$0x0] =	vst.idx.add.f32.msk $0xffff, v11  }
0x205: {  	s10 =	sadd.s32 $0x80, s20;
	[tilespmem:v9+s1+$0x0] =	vst.idx.add.f32.msk $0xffff, v12  }
0x206: {  	v13 =	vmov s22;
	s11 =	sadd.s32 $0x80, s19;
	v9 =	vld [tilespmem:s10+$0x30]  }
0x207: {  	v10 =	vshrl.u32 v13, $0x3;
	v11 =	vld [tilespmem:s11+$0x30]  }
0x208: {  	v54 =	vld [tilespmem:s11+$0xFFFFFFC0];
	v10 =	vshll.u32 v10, v1  }
0x209: {  	v14 =	vmov s21;
	v55 =	vld [tilespmem:s10+$0xFFFFFFD0];
	v10 =	vbroadcast v10, $0x0  }
0x20a: {  	s20 =	sadd.s32 $0x1, s21;
	s23 =	sadd.s32 $0x3, s21;
	v15 =	vld [tilespmem:s11+$0xFFFFFFD0];
	v14 =	vshrl.u32 v14, $0x3  }
0x20b: {  	s22 =	sadd.s32 $0x2, s21;
	v16 =	vmov s20;
	v17 =	vld [tilespmem:s10+$0xFFFFFFE0];
	v19 =	vmov s23;
	s23 =	sadd.s32 $0x5, s21;
	v10 =	vadd.s32 v8, v10  }
0x20c: {  	v18 =	vmov s22;
	v20 =	vld [tilespmem:s11+$0xFFFFFFE0];
	v21 =	vmov s23;
	v16 =	vshrl.u32 v16, $0x3  }
0x20d: {  	v61 =	vld [tilespmem:s10+$0xFFFFFFC0];
	v18 =	vshrl.u32 v18, $0x3;
	v19 =	vshrl.u32 v19, $0x3;
	v14 =	vshll.u32 v14, v1  }
0x20e: {  	s22 =	sadd.s32 $0x4, s21;
	v22 =	vld [tilespmem:s10+$0xFFFFFFF0];
	v19 =	vshll.u32 v19, v1;
	v14 =	vbroadcast v14, $0x0;
	v9 =	vadd.f32 v11, v9  }
0x20f: {  	v56 =	vld [tilespmem:s11+$0xFFFFFFF0];
	v57 =	vshll.u32 v18, v1;
	v19 =	vbroadcast v19, $0x0;
	v11 =	vmov s22  }
0x210: {  	v14 =	vadd.s32 v0, v14;
	[tilespmem:v10+s1+$0x0] =	vst.idx.add.f32.msk $0xffff, v9;
	v9 =	vshrl.u32 v11, $0x3;
	v11 =	vshll.u32 v16, v1  }
0x211: {  	v58 =	vld [tilespmem:s10+$0x0];
	s22 =	sadd.s32 $0x6, s21;
	v13 =	vadd.f32 v15, v55;
	v15 =	vbroadcast v57, $0x0;
	v11 =	vbroadcast v11, $0x0  }
0x212: {  	v60 =	vld [tilespmem:s11+$0x0];
	v19 =	vadd.s32 v4, v19;
	v12 =	vadd.f32 v54, v61;
	v23 =	vmov s22  }
0x213: {  	v24 =	vld [tilespmem:s10+$0x10];
	v10 =	vshrl.u32 v21, $0x3;
	v9 =	vshll.u32 v9, v1;
	v11 =	vadd.s32 v2, v11  }
0x214: {  	v25 =	vld [tilespmem:s11+$0x10];
	v59 =	vshrl.u32 v23, $0x3;
	v10 =	vshll.u32 v10, v1;
	v9 =	vbroadcast v9, $0x0  }
0x215: {  	v26 =	vld [tilespmem:s10+$0x20];
	v15 =	vadd.s32 v3, v15;
	v21 =	vshll.u32 v59, v1;
	v10 =	vbroadcast v10, $0x0  }
0x216: {  	v27 =	vld [tilespmem:s11+$0x20];
	v21 =	vbroadcast v21, $0x0;
	v9 =	vadd.s32 v5, v9  }
0x217: {  	v16 =	vadd.f32 v56, v22;
	[tilespmem:v14+s1+$0x0] =	vst.idx.add.f32.msk $0xffff, v12;
	v10 =	vadd.s32 v6, v10  }
0x218: {  	v17 =	vadd.f32 v20, v17;
	[tilespmem:v11+s1+$0x0] =	vst.idx.add.f32.msk $0xffff, v13;
	v11 =	vadd.s32 v7, v21  }
0x219: {  	v62 =	vadd.f32 v60, v58;
	[tilespmem:v19+s1+$0x0] =	vst.idx.add.f32.msk $0xffff, v16  }
0x21a: {  	v63 =	vadd.f32 v25, v24;
	[tilespmem:v15+s1+$0x0] =	vst.idx.add.f32.msk $0xffff, v17  }
0x21b: {  	[tilespmem:v9+s1+$0x0] =	vst.idx.add.f32.msk $0xffff, v62;
	v9 =	vadd.f32 v27, v26  }
0x21c: {  	[tilespmem:v10+s1+$0x0] =	vst.idx.add.f32.msk $0xffff, v63  }
0x21d: {  	[tilespmem:v11+s1+$0x0] =	vst.idx.add.f32.msk $0xffff, v9  }
0x21e: {  	s18 =	sadd.s32 $0x1, s18;
	s23 =	rddreg [dreg:$0x16]  }
0x21f: {  	[hbm4b:s23+s29] =	stream.strided.scatter [tilespmem:s1], [sflag:$0xB], $0x3E80, s0, s29, $0x38;
	[tilespmem:$0x186A0] =	vst v63  }
0x220: {  	p0 =	sne.s32 s18, s24;
	_ =	swait.ge [sflag:s17], $0x3E80  }
.Ltmp5:
0x221: {  	[sflag:s17] =	ssyncset.done $0x0;
	(pc) =	sbr.rel @p0 .LBB2_1-.Ltmp5, $4  }
0x222: {  	[sflag:s17] =	ssyncadd.s32 $0xFFFFC180  }
0x223: {  	_ =	swait.ge [sflag:s16], $0x3E80  }
0x224: {  	[sflag:s16] =	ssyncset.done $0x0  }
0x225: {  	[sflag:s16] =	ssyncadd.s32 $0xFFFFC180  }
0x226: {  	_ =	sfence.sel $0x180000  }
0x227: {  	[bflag:$0x0] =	sbarrier.arrive $0xFFFF  }
0x228: {  	_ =	strace $0x90000047  }
0x229: {  	s0 =	stileid.u32;
	[bflag:$0x2] =	sbarrier.arrive $0xFFFF  }
0x22a: {  	p0 =	sne.s32 s0, $0x0;
	s0 =	rddreg [dreg:$0x2]  }
0x22b: {  	s0 =	sadd.s32 @!p0 $0x100000, s0  }
0x22c: {  	[sflag:s0] =	ssyncadd.tile.s32 @!p0 $0x1;
	_ =	shalt  }
.Lfunc_end2:
_tile_overlayer_lowered:
.L_overlay_start_2:
0x22d: {  	(tag) =	ssettag $0x2  }
0x22e: {  	s0 =	rddreg [dreg:$0x0];
	s2 =	stileid.u32  }
0x22f: {  	s1 =	rddreg [dreg:$0x1];
	p0 =	sne.s32 s2, $0x0  }
0x230: {  	s3 =	rddreg [dreg:$0x2];
	[bflag:$0x3] =	sbarrier.arrive $0xFFFF;
	s2 =	simm.s32 @!p0 $0x1C0D  }
0x231: {  	[timem:s3], [sflag:s2] =	dma.local @!p0 [hbm:s0], s1  }
0x232: {  	s0 =	simm.s32 @!p0 $0xD  }
0x233: {  	_ =	swait.ge @!p0 [sflag:s0], s1  }
0x234: {  	s1 =	ssub.s32 @!p0 $0x0, s1;
	[sflag:s0] =	ssyncset.done @!p0 $0x0  }
0x235: {  	[sflag:s0] =	ssyncadd.s32 @!p0 s1  }
0x236: {  	[bflag:$0x3] =	sbarrier.arrive $0xFFFF  }
0x237: {  	_ =	shalt  }

</sc_bundles>
